<compile_context>
chip_gen: v7x
topology: tpu7x:2x2x1
jax: 0.10.2.dev20260603
libtpu: 0.0.44.dev20260713+nightly
codegen_flags: <defaults>
</compile_context>

<pallas_src>
import functools

import jax
import jax.numpy as jnp
from jax import lax
from jax.experimental import pallas as pl
from jax.experimental.pallas import tpu as pltpu
from jax.experimental.pallas import tpu_sc as plsc

N_FRAG = 1600000
N_CELLS = 10000
N_GENES = 100

NC = 2
NS = 16
NW = NC * NS
PER_W = N_FRAG // NW
BATCH = 256
FULL_BATCHES = PER_W // BATCH
TAIL = PER_W - FULL_BATCHES * BATCH

HIST = 1024000
SLICE = HIST // NS
ZCHUNK = 16000

CHUNK = 512000


def _sc_hist_body(idx_hbm, parts0_hbm, parts1_hbm, idx_v, zbuf_v,
                  ones_v, hist_sh, ld_sem, sc_sem, z_sem):
    cid = lax.axis_index("c")
    sid = lax.axis_index("s")
    w = cid * NS + sid

    idx_i = idx_v.at[0]

    idx_dma = pltpu.async_copy(idx_hbm.at[pl.ds(w * PER_W, PER_W)], idx_i, ld_sem)

    def fill_ones(i, c):
        ones_v[pl.ds(i * 16, 16)] = jnp.ones((16,), jnp.float32)
        return c

    lax.fori_loop(0, BATCH // 16, fill_ones, 0)

    def fill_zero(i, c):
        zbuf_v[pl.ds(i * 16, 16)] = jnp.zeros((16,), jnp.float32)
        return c

    lax.fori_loop(0, ZCHUNK // 16, fill_zero, 0)

    def zero_hist(i, c):
        pltpu.async_copy(zbuf_v,
                         hist_sh.at[pl.ds(sid * SLICE + i * ZCHUNK, ZCHUNK)],
                         z_sem)
        return c

    lax.fori_loop(0, SLICE // ZCHUNK, zero_hist, 0)

    def zero_drain(i, c):
        pltpu.make_async_copy(
            zbuf_v, hist_sh.at[pl.ds(sid * SLICE, ZCHUNK)], z_sem).wait()
        return c

    lax.fori_loop(0, SLICE // ZCHUNK, zero_drain, 0)

    idx_dma.wait()
    plsc.subcore_barrier()

    def scatter(j, c):
        pltpu.async_copy(ones_v, hist_sh.at[idx_i.at[pl.ds(j * BATCH, BATCH)]],
                         sc_sem, add=True)
        return c

    lax.fori_loop(0, FULL_BATCHES, scatter, 0)
    pltpu.async_copy(ones_v.at[pl.ds(0, TAIL)],
                     hist_sh.at[idx_i.at[pl.ds(FULL_BATCHES * BATCH, TAIL)]],
                     sc_sem, add=True)

    def drain(j, c):
        pltpu.make_async_copy(
            ones_v, hist_sh.at[idx_i.at[pl.ds(0, BATCH)]], sc_sem).wait()
        return c

    lax.fori_loop(0, FULL_BATCHES, drain, 0)
    pltpu.make_async_copy(
        ones_v.at[pl.ds(0, TAIL)],
        hist_sh.at[idx_i.at[pl.ds(0, TAIL)]], sc_sem).wait()

    plsc.subcore_barrier()

    bufs = [zbuf_v, idx_v.bitcast(jnp.float32).at[0].at[pl.ds(0, ZCHUNK)]]
    n_chunks = SLICE // ZCHUNK

    def hop1(i, buf):
        return pltpu.async_copy(
            hist_sh.at[pl.ds(sid * SLICE + i * ZCHUNK, ZCHUNK)], buf, ld_sem)

    for pid, parts_hbm in enumerate([parts0_hbm, parts1_hbm]):

        @pl.when(cid == pid)
        def _(parts_hbm=parts_hbm):
            hop1(0, bufs[0]).wait()
            for i in range(n_chunks):
                d2 = pltpu.async_copy(
                    bufs[i % 2],
                    parts_hbm.at[pl.ds(sid * SLICE + i * ZCHUNK, ZCHUNK)],
                    sc_sem)
                if i + 1 < n_chunks:
                    hop1(i + 1, bufs[(i + 1) % 2]).wait()
                d2.wait()


_sc_hist = functools.partial(
    pl.kernel,
    out_type=[jax.ShapeDtypeStruct((HIST,), jnp.float32),
              jax.ShapeDtypeStruct((HIST,), jnp.float32)],
    mesh=plsc.VectorSubcoreMesh(core_axis_name="c", subcore_axis_name="s"),
    scratch_types=[
        pltpu.VMEM((1, PER_W), jnp.int32),
        pltpu.VMEM((ZCHUNK,), jnp.float32),
        pltpu.VMEM((BATCH,), jnp.float32),
        pltpu.VMEM_SHARED((HIST,), jnp.float32),
        pltpu.SemaphoreType.DMA,
        pltpu.SemaphoreType.DMA,
        pltpu.SemaphoreType.DMA,
    ],
)(_sc_hist_body)


def _tc_combine_body(p0_ref, p1_ref, scale_ref, bias_ref, out_ref):
    out_ref[...] = (p0_ref[...] + p1_ref[...]) * scale_ref[...] + bias_ref[...]


def kernel(coordinates, genemapping, local_cellxgene_ix, n_cells, n_genes,
           genes_oi, weight1, bias1):
    ix = local_cellxgene_ix.astype(jnp.int32)

    parts0, parts1 = _sc_hist(ix)

    scale_flat = jnp.tile(weight1[genes_oi, 0] * 10.0, CHUNK // N_GENES)
    bias_flat = jnp.tile(bias1[genes_oi], CHUNK // N_GENES)

    out_flat = pl.pallas_call(
        _tc_combine_body,
        grid=((N_CELLS * N_GENES + CHUNK - 1) // CHUNK,),
        in_specs=[
            pl.BlockSpec((CHUNK,), lambda i: (i,)),
            pl.BlockSpec((CHUNK,), lambda i: (i,)),
            pl.BlockSpec((CHUNK,), lambda i: (0,)),
            pl.BlockSpec((CHUNK,), lambda i: (0,)),
        ],
        out_specs=pl.BlockSpec((CHUNK,), lambda i: (i,)),
        out_shape=jax.ShapeDtypeStruct((N_CELLS * N_GENES,), jnp.float32),
    )(parts0, parts1, scale_flat, bias_flat)
    return out_flat.reshape(N_CELLS, N_GENES)

# --- scband reference (transcript-rebuilt; emitter-appended) ---
"""Pipeline reference for scband-model-52475910422530 (READ-ONLY COPY).

The authoritative reference and input builder live on the scoring server;
editing this copy changes nothing except your own understanding.
"""

import jax, jax.numpy as jnp
import numpy as np

N_FRAG = 1600000
N_CELLS = 10000
N_GENES = 100


def setup_inputs(seed: int = 0) -> dict:
    key = jax.random.key(seed)
    k1 = jax.random.fold_in(key, 1)
    k2 = jax.random.fold_in(key, 2)
    k3 = jax.random.fold_in(key, 3)
    coordinates = jax.random.normal(k1, (N_FRAG, 2), dtype=jnp.float32)
    genemapping = jax.random.randint(k2, (N_FRAG,), 0, N_GENES, dtype=jnp.int64) if jax.config.read('jax_enable_x64') else jax.random.randint(k2, (N_FRAG,), 0, N_GENES).astype(jnp.int32)
    local_cellxgene_ix = jnp.sort(jax.random.randint(k3, (N_FRAG,), 0, N_CELLS * N_GENES))
    genes_oi = jnp.arange(N_GENES)
    # learned parameters per EmbeddingToExpression(n_genes=100, n_embedding_dimensions=1)
    weight1 = jnp.ones((N_GENES, 1), dtype=jnp.float32) / 10.0
    bias1 = jnp.zeros((N_GENES,), dtype=jnp.float32)  # mean_gene_expression init
    return {
        'coordinates': coordinates,
        'genemapping': genemapping,
        'local_cellxgene_ix': local_cellxgene_ix,
        'n_cells': N_CELLS,
        'n_genes': N_GENES,
        'genes_oi': genes_oi,
        'weight1': weight1,
        'bias1': bias1,
    }


def reference(coordinates, genemapping, local_cellxgene_ix, n_cells, n_genes, genes_oi, weight1, bias1):
    n_genes_static = genes_oi.shape[0]
    n_cells_static = N_CELLS
    # FragmentEmbedder: dummy embedding of ones, dim = 1
    fragment_embedding = jnp.ones((coordinates.shape[0], 1), dtype=jnp.float32)
    # EmbeddingGenePooler (reduce='sum'): segment_sum_coo over sorted cellxgene indices
    cellxgene_embedding = jax.ops.segment_sum(
        fragment_embedding, local_cellxgene_ix, num_segments=n_cells_static * n_genes_static)
    cell_gene_embedding = cellxgene_embedding.reshape((n_cells_static, n_genes_static, cellxgene_embedding.shape[-1]))
    # EmbeddingToExpression
    expression_predicted = (cell_gene_embedding * weight1[genes_oi] * 10.0).sum(-1) + bias1[genes_oi]
    traced_zero = (jnp.asarray(n_cells) * 0 + jnp.asarray(n_genes) * 0).astype(jnp.float32)
    expression_predicted = expression_predicted + traced_zero
    return expression_predicted

if __name__ == "__main__":
    import jax
    _d = setup_inputs()
    print(jax.jit(kernel)(*tuple(_d.values())))

</pallas_src>

<mosaic_0001>
#map = affine_map<(d0, d1) -> (0)>
module attributes {stable_mosaic.version = 14 : i64} {
  func.func @_sc_hist_body(%arg0: i32, %arg1: i32, %arg2: memref<1600000xi32, #tpu.memory_space<hbm>>, %arg3: memref<1024000xf32, #tpu.memory_space<hbm>>, %arg4: memref<1024000xf32, #tpu.memory_space<hbm>>, %arg5: memref<1x50000xi32, #tpu.memory_space<vmem>>, %arg6: memref<16000xf32, #tpu.memory_space<vmem>>, %arg7: memref<256xf32, #tpu.memory_space<vmem>>, %arg8: memref<1024000xf32, #tpu.memory_space<vmem_shared>>, %arg9: memref<!tpu.dma_semaphore, #tpu.memory_space<semaphore_mem>>, %arg10: memref<!tpu.dma_semaphore, #tpu.memory_space<semaphore_mem>>, %arg11: memref<!tpu.dma_semaphore, #tpu.memory_space<semaphore_mem>>) attributes {dimension_semantics = [#tpu.dimension_semantics<core_parallel>, #tpu.dimension_semantics<subcore_parallel>], iteration_bounds = array<i64: 2, 16>, scalar_prefetch = 0 : i64, scratch_operands = 7 : i64, tpu.core_type = #tpu.core_type<sc_vector_subcore>, window_params = [{transform_indices = #map}, {transform_indices = #map}, {transform_indices = #map}]} {
    %mul3A = arith.constant 16 : i32
    %mul3A_0 = arith.muli %arg0, %mul3A : i32
    %add3A = arith.addi %mul3A_0, %arg1 : i32
    %mul3A_1 = arith.constant 50000 : i32
    %mul3A_2 = arith.muli %add3A, %mul3A_1 : i32
    %dma_start3A = arith.constant 0 : i32
    %dma_start3A_3 = arith.constant 0 : i32
    %dma_start3A_4 = tpu.memref_slice %arg5[%dma_start3A, %dma_start3A_3] : memref<1x50000xi32, #tpu.memory_space<vmem>> -> memref<1x50000xi32, #tpu.memory_space<vmem>>
    %dma_start3A_5 = tpu.memref_squeeze %dma_start3A_4 : memref<1x50000xi32, #tpu.memory_space<vmem>> -> memref<50000xi32, #tpu.memory_space<vmem>>
    %dma_start3A_6 = tpu.memref_slice %arg2[%mul3A_2] : memref<1600000xi32, #tpu.memory_space<hbm>> -> memref<50000xi32, #tpu.memory_space<hbm>>
    %dma_start3A_7 = arith.constant 0 : i32
    %dma_start3A_8 = tpu.memref_slice %arg5[%dma_start3A, %dma_start3A_7] : memref<1x50000xi32, #tpu.memory_space<vmem>> -> memref<1x50000xi32, #tpu.memory_space<vmem>>
    %dma_start3A_9 = tpu.memref_squeeze %dma_start3A_8 : memref<1x50000xi32, #tpu.memory_space<vmem>> -> memref<50000xi32, #tpu.memory_space<vmem>>
    %dma_start3A_10 = tpu.memref_slice %arg2[%mul3A_2] : memref<1600000xi32, #tpu.memory_space<hbm>> -> memref<50000xi32, #tpu.memory_space<hbm>>
    tpu.enqueue_dma source(%dma_start3A_10 : memref<50000xi32, #tpu.memory_space<hbm>>) target(%dma_start3A_9 : memref<50000xi32, #tpu.memory_space<vmem>>) target_semaphore(%arg9 : memref<!tpu.dma_semaphore, #tpu.memory_space<semaphore_mem>>)
    %scan3A = arith.constant 0 : i32
    %scan3A_11 = arith.constant 0 : i32
    %scan3A_12 = arith.constant 16 : i32
    %scan3A_13 = arith.addi %scan3A_11, %scan3A_12 : i32
    %scan3A_14 = arith.constant 1 : i32
    scf.for %scan3A_86 = %scan3A_11 to %scan3A_13 step %scan3A_14  : i32 {
      %broadcast_in_dim3A = arith.constant 1.000000e+00 : f32
      %broadcast_in_dim3A_87 = vector.broadcast %broadcast_in_dim3A : f32 to vector<16xf32>
      %mul3A_88 = arith.constant 16 : i32
      %mul3A_89 = arith.muli %scan3A_86, %mul3A_88 : i32
      %swap3A = arith.index_cast %mul3A_89 : i32 to index
      %swap3A_90 = tpu.vector_load %arg7[%swap3A] {strides = array<i32>} : memref<256xf32, #tpu.memory_space<vmem>>, vector<16xf32>,
      %swap3A_91 = vector.shape_cast %swap3A_90 : vector<16xf32> to vector<16xf32>
      %swap3A_92 = vector.shape_cast %broadcast_in_dim3A_87 : vector<16xf32> to vector<16xf32>
      tpu.vector_store %arg7[%swap3A], %swap3A_92 {strides = array<i32>} : memref<256xf32, #tpu.memory_space<vmem>>, vector<16xf32>,
    }
    %scan3A_15 = arith.constant 16 : i32
    %scan3A_16 = arith.constant 0 : i32
    %scan3A_17 = arith.constant 0 : i32
    %scan3A_18 = arith.constant 1000 : i32
    %scan3A_19 = arith.addi %scan3A_17, %scan3A_18 : i32
    %scan3A_20 = arith.constant 1 : i32
    scf.for %scan3A_86 = %scan3A_17 to %scan3A_19 step %scan3A_20  : i32 {
      %broadcast_in_dim3A = arith.constant 0.000000e+00 : f32
      %broadcast_in_dim3A_87 = vector.broadcast %broadcast_in_dim3A : f32 to vector<16xf32>
      %mul3A_88 = arith.constant 16 : i32
      %mul3A_89 = arith.muli %scan3A_86, %mul3A_88 : i32
      %swap3A = arith.index_cast %mul3A_89 : i32 to index
      %swap3A_90 = tpu.vector_load %arg6[%swap3A] {strides = array<i32>} : memref<16000xf32, #tpu.memory_space<vmem>>, vector<16xf32>,
      %swap3A_91 = vector.shape_cast %swap3A_90 : vector<16xf32> to vector<16xf32>
      %swap3A_92 = vector.shape_cast %broadcast_in_dim3A_87 : vector<16xf32> to vector<16xf32>
      tpu.vector_store %arg6[%swap3A], %swap3A_92 {strides = array<i32>} : memref<16000xf32, #tpu.memory_space<vmem>>, vector<16xf32>,
    }
    %scan3A_21 = arith.constant 1000 : i32
    %scan3A_22 = arith.constant 0 : i32
    %scan3A_23 = arith.constant 0 : i32
    %scan3A_24 = arith.constant 4 : i32
    %scan3A_25 = arith.addi %scan3A_23, %scan3A_24 : i32
    %scan3A_26 = arith.constant 1 : i32
    scf.for %scan3A_86 = %scan3A_23 to %scan3A_25 step %scan3A_26  : i32 {
      %mul3A_87 = arith.constant 64000 : i32
      %mul3A_88 = arith.muli %arg1, %mul3A_87 : i32
      %mul3A_89 = arith.constant 16000 : i32
      %mul3A_90 = arith.muli %scan3A_86, %mul3A_89 : i32
      %add3A_91 = arith.addi %mul3A_88, %mul3A_90 : i32
      %dma_start3A_92 = tpu.memref_slice %arg8[%add3A_91] : memref<1024000xf32, #tpu.memory_space<vmem_shared>> -> memref<16000xf32, #tpu.memory_space<vmem_shared>>
      %dma_start3A_93 = tpu.memref_slice %arg8[%add3A_91] : memref<1024000xf32, #tpu.memory_space<vmem_shared>> -> memref<16000xf32, #tpu.memory_space<vmem_shared>>
      tpu.enqueue_dma source(%arg6 : memref<16000xf32, #tpu.memory_space<vmem>>) target(%dma_start3A_93 : memref<16000xf32, #tpu.memory_space<vmem_shared>>) target_semaphore(%arg11 : memref<!tpu.dma_semaphore, #tpu.memory_space<semaphore_mem>>)
    }
    %scan3A_27 = arith.constant 4 : i32
    %scan3A_28 = arith.constant 0 : i32
    %scan3A_29 = arith.constant 0 : i32
    %scan3A_30 = arith.constant 4 : i32
    %scan3A_31 = arith.addi %scan3A_29, %scan3A_30 : i32
    %scan3A_32 = arith.constant 1 : i32
    scf.for %scan3A_86 = %scan3A_29 to %scan3A_31 step %scan3A_32  : i32 {
      %mul3A_87 = arith.constant 64000 : i32
      %mul3A_88 = arith.muli %arg1, %mul3A_87 : i32
      %dma_wait3A_89 = tpu.memref_slice %arg8[%mul3A_88] : memref<1024000xf32, #tpu.memory_space<vmem_shared>> -> memref<16000xf32, #tpu.memory_space<vmem_shared>>
      %dma_wait3A_90 = tpu.memref_slice %arg8[%mul3A_88] : memref<1024000xf32, #tpu.memory_space<vmem_shared>> -> memref<16000xf32, #tpu.memory_space<vmem_shared>>
      tpu.wait_dma2 semaphore(%arg11 : memref<!tpu.dma_semaphore, #tpu.memory_space<semaphore_mem>>) src(%arg6 : memref<16000xf32, #tpu.memory_space<vmem>>) dst(%dma_wait3A_90 : memref<16000xf32, #tpu.memory_space<vmem_shared>>)
    }
    %scan3A_33 = arith.constant 4 : i32
    %dma_wait3A = arith.constant 0 : i32
    %dma_wait3A_34 = arith.constant 0 : i32
    %dma_wait3A_35 = tpu.memref_slice %arg5[%dma_wait3A, %dma_wait3A_34] : memref<1x50000xi32, #tpu.memory_space<vmem>> -> memref<1x50000xi32, #tpu.memory_space<vmem>>
    %dma_wait3A_36 = tpu.memref_squeeze %dma_wait3A_35 : memref<1x50000xi32, #tpu.memory_space<vmem>> -> memref<50000xi32, #tpu.memory_space<vmem>>
    %dma_wait3A_37 = tpu.memref_slice %arg2[%mul3A_2] : memref<1600000xi32, #tpu.memory_space<hbm>> -> memref<50000xi32, #tpu.memory_space<hbm>>
    %dma_wait3A_38 = arith.constant 0 : i32
    %dma_wait3A_39 = tpu.memref_slice %arg5[%dma_wait3A, %dma_wait3A_38] : memref<1x50000xi32, #tpu.memory_space<vmem>> -> memref<1x50000xi32, #tpu.memory_space<vmem>>
    %dma_wait3A_40 = tpu.memref_squeeze %dma_wait3A_39 : memref<1x50000xi32, #tpu.memory_space<vmem>> -> memref<50000xi32, #tpu.memory_space<vmem>>
    %dma_wait3A_41 = tpu.memref_slice %arg2[%mul3A_2] : memref<1600000xi32, #tpu.memory_space<hbm>> -> memref<50000xi32, #tpu.memory_space<hbm>>
    tpu.wait_dma2 semaphore(%arg9 : memref<!tpu.dma_semaphore, #tpu.memory_space<semaphore_mem>>) src(%dma_wait3A_41 : memref<50000xi32, #tpu.memory_space<hbm>>) dst(%dma_wait3A_40 : memref<50000xi32, #tpu.memory_space<vmem>>)
    %barrier3A = arith.constant 0 : index
    tpu.barrier barrier_id(%barrier3A)
    %scan3A_42 = arith.constant 0 : i32
    %scan3A_43 = arith.constant 0 : i32
    %scan3A_44 = arith.constant 0 : i32
    %scan3A_45 = arith.constant 195 : i32
    %scan3A_46 = arith.addi %scan3A_44, %scan3A_45 : i32
    %scan3A_47 = arith.constant 1 : i32
    scf.for %scan3A_86 = %scan3A_44 to %scan3A_46 step %scan3A_47  : i32 {
      %mul3A_87 = arith.constant 256 : i32
      %mul3A_88 = arith.muli %scan3A_86, %mul3A_87 : i32
      %dma_start3A_89 = arith.constant 0 : i32
      %dma_start3A_90 = tpu.memref_slice %arg5[%scan3A_43, %dma_start3A_89] : memref<1x50000xi32, #tpu.memory_space<vmem>> -> memref<1x50000xi32, #tpu.memory_space<vmem>>
      %dma_start3A_91 = tpu.memref_squeeze %dma_start3A_90 : memref<1x50000xi32, #tpu.memory_space<vmem>> -> memref<50000xi32, #tpu.memory_space<vmem>>
      %dma_start3A_92 = tpu.memref_slice %dma_start3A_91[%mul3A_88] : memref<50000xi32, #tpu.memory_space<vmem>> -> memref<256xi32, #tpu.memory_space<vmem>>
      %dma_start3A_93 = arith.constant 0 : i32
      %dma_start3A_94 = tpu.memref_slice %arg8[%dma_start3A_93] : memref<1024000xf32, #tpu.memory_space<vmem_shared>> -> memref<1024000xf32, #tpu.memory_space<vmem_shared>>
      tpu.enqueue_indirect_dma source(%arg7 : memref<256xf32, #tpu.memory_space<vmem>>) target(%dma_start3A_94 : memref<1024000xf32, #tpu.memory_space<vmem_shared>>) offsets(%dma_start3A_92 : memref<256xi32, #tpu.memory_space<vmem>>) semaphore(%arg10 : memref<!tpu.dma_semaphore, #tpu.memory_space<semaphore_mem>>) {add = true}
    }
    %scan3A_48 = arith.constant 195 : i32
    %dma_start3A_49 = arith.constant 0 : i32
    %dma_start3A_50 = arith.constant 0 : i32
    %dma_start3A_51 = tpu.memref_slice %arg7[%dma_start3A_50] : memref<256xf32, #tpu.memory_space<vmem>> -> memref<80xf32, #tpu.memory_space<vmem>>
    %dma_start3A_52 = arith.constant 0 : i32
    %dma_start3A_53 = tpu.memref_slice %arg5[%dma_start3A_49, %dma_start3A_52] : memref<1x50000xi32, #tpu.memory_space<vmem>> -> memref<1x50000xi32, #tpu.memory_space<vmem>>
    %dma_start3A_54 = tpu.memref_squeeze %dma_start3A_53 : memref<1x50000xi32, #tpu.memory_space<vmem>> -> memref<50000xi32, #tpu.memory_space<vmem>>
    %dma_start3A_55 = arith.constant 49920 : i32
    %dma_start3A_56 = tpu.memref_slice %dma_start3A_54[%dma_start3A_55] : memref<50000xi32, #tpu.memory_space<vmem>> -> memref<80xi32, #tpu.memory_space<vmem>>
    %dma_start3A_57 = arith.constant 0 : i32
    %dma_start3A_58 = tpu.memref_slice %arg8[%dma_start3A_57] : memref<1024000xf32, #tpu.memory_space<vmem_shared>> -> memref<1024000xf32, #tpu.memory_space<vmem_shared>>
    tpu.enqueue_indirect_dma source(%dma_start3A_51 : memref<80xf32, #tpu.memory_space<vmem>>) target(%dma_start3A_58 : memref<1024000xf32, #tpu.memory_space<vmem_shared>>) offsets(%dma_start3A_56 : memref<80xi32, #tpu.memory_space<vmem>>) semaphore(%arg10 : memref<!tpu.dma_semaphore, #tpu.memory_space<semaphore_mem>>) {add = true}
    %scan3A_59 = arith.constant 0 : i32
    %scan3A_60 = arith.constant 0 : i32
    %scan3A_61 = arith.constant 0 : i32
    %scan3A_62 = arith.constant 195 : i32
    %scan3A_63 = arith.addi %scan3A_61, %scan3A_62 : i32
    %scan3A_64 = arith.constant 1 : i32
    scf.for %scan3A_86 = %scan3A_61 to %scan3A_63 step %scan3A_64  : i32 {
      %dma_wait3A_87 = arith.constant 0 : i32
      %dma_wait3A_88 = tpu.memref_slice %arg5[%scan3A_60, %dma_wait3A_87] : memref<1x50000xi32, #tpu.memory_space<vmem>> -> memref<1x50000xi32, #tpu.memory_space<vmem>>
      %dma_wait3A_89 = tpu.memref_squeeze %dma_wait3A_88 : memref<1x50000xi32, #tpu.memory_space<vmem>> -> memref<50000xi32, #tpu.memory_space<vmem>>
      %dma_wait3A_90 = arith.constant 0 : i32
      %dma_wait3A_91 = tpu.memref_slice %dma_wait3A_89[%dma_wait3A_90] : memref<50000xi32, #tpu.memory_space<vmem>> -> memref<256xi32, #tpu.memory_space<vmem>>
      %dma_wait3A_92 = arith.constant 0 : i32
      %dma_wait3A_93 = tpu.memref_slice %arg8[%dma_wait3A_92] : memref<1024000xf32, #tpu.memory_space<vmem_shared>> -> memref<1024000xf32, #tpu.memory_space<vmem_shared>>
      tpu.wait_indirect_dma semaphore(%arg10 : memref<!tpu.dma_semaphore, #tpu.memory_space<semaphore_mem>>) src(%arg7 : memref<256xf32, #tpu.memory_space<vmem>>) dst(%dma_wait3A_93 : memref<1024000xf32, #tpu.memory_space<vmem_shared>>)
    }
    %scan3A_65 = arith.constant 195 : i32
    %dma_wait3A_66 = arith.constant 0 : i32
    %dma_wait3A_67 = arith.constant 0 : i32
    %dma_wait3A_68 = tpu.memref_slice %arg7[%dma_wait3A_67] : memref<256xf32, #tpu.memory_space<vmem>> -> memref<80xf32, #tpu.memory_space<vmem>>
    %dma_wait3A_69 = arith.constant 0 : i32
    %dma_wait3A_70 = tpu.memref_slice %arg5[%dma_wait3A_66, %dma_wait3A_69] : memref<1x50000xi32, #tpu.memory_space<vmem>> -> memref<1x50000xi32, #tpu.memory_space<vmem>>
    %dma_wait3A_71 = tpu.memref_squeeze %dma_wait3A_70 : memref<1x50000xi32, #tpu.memory_space<vmem>> -> memref<50000xi32, #tpu.memory_space<vmem>>
    %dma_wait3A_72 = arith.constant 0 : i32
    %dma_wait3A_73 = tpu.memref_slice %dma_wait3A_71[%dma_wait3A_72] : memref<50000xi32, #tpu.memory_space<vmem>> -> memref<80xi32, #tpu.memory_space<vmem>>
    %dma_wait3A_74 = arith.constant 0 : i32
    %dma_wait3A_75 = tpu.memref_slice %arg8[%dma_wait3A_74] : memref<1024000xf32, #tpu.memory_space<vmem_shared>> -> memref<1024000xf32, #tpu.memory_space<vmem_shared>>
    tpu.wait_indirect_dma semaphore(%arg10 : memref<!tpu.dma_semaphore, #tpu.memory_space<semaphore_mem>>) src(%dma_wait3A_68 : memref<80xf32, #tpu.memory_space<vmem>>) dst(%dma_wait3A_75 : memref<1024000xf32, #tpu.memory_space<vmem_shared>>)
    %barrier3A_76 = arith.constant 0 : index
    tpu.barrier barrier_id(%barrier3A_76)
    %eq3A = arith.constant 0 : i32
    %eq3A_77 = arith.cmpi eq, %arg0, %eq3A : i32
    %convert_element_type3A = arith.extui %eq3A_77 : i1 to i32
    %cond3A = arith.constant 0 : i32
    %cond3A_78 = arith.constant 0 : i32
    %cond3A_79 = arith.cmpi ne, %convert_element_type3A, %cond3A_78 : i32
    scf.if %cond3A_79 {
      %mul3A_86 = arith.constant 64000 : i32
      %mul3A_87 = arith.muli %arg1, %mul3A_86 : i32
      %add3A_88 = arith.constant 0 : i32
      %add3A_89 = arith.addi %mul3A_87, %add3A_88 : i32
      %dma_start3A_90 = tpu.memref_slice %arg8[%add3A_89] : memref<1024000xf32, #tpu.memory_space<vmem_shared>> -> memref<16000xf32, #tpu.memory_space<vmem_shared>>
      %dma_start3A_91 = tpu.memref_slice %arg8[%add3A_89] : memref<1024000xf32, #tpu.memory_space<vmem_shared>> -> memref<16000xf32, #tpu.memory_space<vmem_shared>>
      tpu.enqueue_dma source(%dma_start3A_91 : memref<16000xf32, #tpu.memory_space<vmem_shared>>) target(%arg6 : memref<16000xf32, #tpu.memory_space<vmem>>) target_semaphore(%arg9 : memref<!tpu.dma_semaphore, #tpu.memory_space<semaphore_mem>>)
      %dma_wait3A_92 = tpu.memref_slice %arg8[%add3A_89] : memref<1024000xf32, #tpu.memory_space<vmem_shared>> -> memref<16000xf32, #tpu.memory_space<vmem_shared>>
      %dma_wait3A_93 = tpu.memref_slice %arg8[%add3A_89] : memref<1024000xf32, #tpu.memory_space<vmem_shared>> -> memref<16000xf32, #tpu.memory_space<vmem_shared>>
      tpu.wait_dma2 semaphore(%arg9 : memref<!tpu.dma_semaphore, #tpu.memory_space<semaphore_mem>>) src(%dma_wait3A_93 : memref<16000xf32, #tpu.memory_space<vmem_shared>>) dst(%arg6 : memref<16000xf32, #tpu.memory_space<vmem>>)
      %mul3A_94 = arith.constant 64000 : i32
      %mul3A_95 = arith.muli %arg1, %mul3A_94 : i32
      %add3A_96 = arith.constant 0 : i32
      %add3A_97 = arith.addi %mul3A_95, %add3A_96 : i32
      %dma_start3A_98 = tpu.memref_slice %arg3[%add3A_97] : memref<1024000xf32, #tpu.memory_space<hbm>> -> memref<16000xf32, #tpu.memory_space<hbm>>
      %dma_start3A_99 = tpu.memref_slice %arg3[%add3A_97] : memref<1024000xf32, #tpu.memory_space<hbm>> -> memref<16000xf32, #tpu.memory_space<hbm>>
      tpu.enqueue_dma source(%arg6 : memref<16000xf32, #tpu.memory_space<vmem>>) target(%dma_start3A_99 : memref<16000xf32, #tpu.memory_space<hbm>>) target_semaphore(%arg10 : memref<!tpu.dma_semaphore, #tpu.memory_space<semaphore_mem>>)
      %mul3A_100 = arith.constant 64000 : i32
      %mul3A_101 = arith.muli %arg1, %mul3A_100 : i32
      %add3A_102 = arith.constant 16000 : i32
      %add3A_103 = arith.addi %mul3A_101, %add3A_102 : i32
      %dma_start3A_104 = tpu.memref_bitcast %arg5 : memref<1x50000xi32, #tpu.memory_space<vmem>> -> memref<1x50000xf32, #tpu.memory_space<vmem>>
      %dma_start3A_105 = arith.constant 0 : i32
      %dma_start3A_106 = tpu.memref_slice %dma_start3A_104[%cond3A, %dma_start3A_105] : memref<1x50000xf32, #tpu.memory_space<vmem>> -> memref<1x50000xf32, #tpu.memory_space<vmem>>
      %dma_start3A_107 = tpu.memref_squeeze %dma_start3A_106 : memref<1x50000xf32, #tpu.memory_space<vmem>> -> memref<50000xf32, #tpu.memory_space<vmem>>
      %dma_start3A_108 = arith.constant 0 : i32
      %dma_start3A_109 = tpu.memref_slice %dma_start3A_107[%dma_start3A_108] : memref<50000xf32, #tpu.memory_space<vmem>> -> memref<16000xf32, #tpu.memory_space<vmem>>
      %dma_start3A_110 = tpu.memref_slice %arg8[%add3A_103] : memref<1024000xf32, #tpu.memory_space<vmem_shared>> -> memref<16000xf32, #tpu.memory_space<vmem_shared>>
      %dma_start3A_111 = tpu.memref_bitcast %arg5 : memref<1x50000xi32, #tpu.memory_space<vmem>> -> memref<1x50000xf32, #tpu.memory_space<vmem>>
      %dma_start3A_112 = arith.constant 0 : i32
      %dma_start3A_113 = tpu.memref_slice %dma_start3A_111[%cond3A, %dma_start3A_112] : memref<1x50000xf32, #tpu.memory_space<vmem>> -> memref<1x50000xf32, #tpu.memory_space<vmem>>
      %dma_start3A_114 = tpu.memref_squeeze %dma_start3A_113 : memref<1x50000xf32, #tpu.memory_space<vmem>> -> memref<50000xf32, #tpu.memory_space<vmem>>
      %dma_start3A_115 = arith.constant 0 : i32
      %dma_start3A_116 = tpu.memref_slice %dma_start3A_114[%dma_start3A_115] : memref<50000xf32, #tpu.memory_space<vmem>> -> memref<16000xf32, #tpu.memory_space<vmem>>
      %dma_start3A_117 = tpu.memref_slice %arg8[%add3A_103] : memref<1024000xf32, #tpu.memory_space<vmem_shared>> -> memref<16000xf32, #tpu.memory_space<vmem_shared>>
      tpu.enqueue_dma source(%dma_start3A_117 : memref<16000xf32, #tpu.memory_space<vmem_shared>>) target(%dma_start3A_116 : memref<16000xf32, #tpu.memory_space<vmem>>) target_semaphore(%arg9 : memref<!tpu.dma_semaphore, #tpu.memory_space<semaphore_mem>>)
      %dma_wait3A_118 = tpu.memref_bitcast %arg5 : memref<1x50000xi32, #tpu.memory_space<vmem>> -> memref<1x50000xf32, #tpu.memory_space<vmem>>
      %dma_wait3A_119 = arith.constant 0 : i32
      %dma_wait3A_120 = tpu.memref_slice %dma_wait3A_118[%cond3A, %dma_wait3A_119] : memref<1x50000xf32, #tpu.memory_space<vmem>> -> memref<1x50000xf32, #tpu.memory_space<vmem>>
      %dma_wait3A_121 = tpu.memref_squeeze %dma_wait3A_120 : memref<1x50000xf32, #tpu.memory_space<vmem>> -> memref<50000xf32, #tpu.memory_space<vmem>>
      %dma_wait3A_122 = arith.constant 0 : i32
      %dma_wait3A_123 = tpu.memref_slice %dma_wait3A_121[%dma_wait3A_122] : memref<50000xf32, #tpu.memory_space<vmem>> -> memref<16000xf32, #tpu.memory_space<vmem>>
      %dma_wait3A_124 = tpu.memref_slice %arg8[%add3A_103] : memref<1024000xf32, #tpu.memory_space<vmem_shared>> -> memref<16000xf32, #tpu.memory_space<vmem_shared>>
      %dma_wait3A_125 = tpu.memref_bitcast %arg5 : memref<1x50000xi32, #tpu.memory_space<vmem>> -> memref<1x50000xf32, #tpu.memory_space<vmem>>
      %dma_wait3A_126 = arith.constant 0 : i32
      %dma_wait3A_127 = tpu.memref_slice %dma_wait3A_125[%cond3A, %dma_wait3A_126] : memref<1x50000xf32, #tpu.memory_space<vmem>> -> memref<1x50000xf32, #tpu.memory_space<vmem>>
      %dma_wait3A_128 = tpu.memref_squeeze %dma_wait3A_127 : memref<1x50000xf32, #tpu.memory_space<vmem>> -> memref<50000xf32, #tpu.memory_space<vmem>>
      %dma_wait3A_129 = arith.constant 0 : i32
      %dma_wait3A_130 = tpu.memref_slice %dma_wait3A_128[%dma_wait3A_129] : memref<50000xf32, #tpu.memory_space<vmem>> -> memref<16000xf32, #tpu.memory_space<vmem>>
      %dma_wait3A_131 = tpu.memref_slice %arg8[%add3A_103] : memref<1024000xf32, #tpu.memory_space<vmem_shared>> -> memref<16000xf32, #tpu.memory_space<vmem_shared>>
      tpu.wait_dma2 semaphore(%arg9 : memref<!tpu.dma_semaphore, #tpu.memory_space<semaphore_mem>>) src(%dma_wait3A_131 : memref<16000xf32, #tpu.memory_space<vmem_shared>>) dst(%dma_wait3A_130 : memref<16000xf32, #tpu.memory_space<vmem>>)
      %dma_wait3A_132 = tpu.memref_slice %arg3[%add3A_97] : memref<1024000xf32, #tpu.memory_space<hbm>> -> memref<16000xf32, #tpu.memory_space<hbm>>
      %dma_wait3A_133 = tpu.memref_slice %arg3[%add3A_97] : memref<1024000xf32, #tpu.memory_space<hbm>> -> memref<16000xf32, #tpu.memory_space<hbm>>
      tpu.wait_dma2 semaphore(%arg10 : memref<!tpu.dma_semaphore, #tpu.memory_space<semaphore_mem>>) src(%arg6 : memref<16000xf32, #tpu.memory_space<vmem>>) dst(%dma_wait3A_133 : memref<16000xf32, #tpu.memory_space<hbm>>)
      %mul3A_134 = arith.constant 64000 : i32
      %mul3A_135 = arith.muli %arg1, %mul3A_134 : i32
      %add3A_136 = arith.constant 16000 : i32
      %add3A_137 = arith.addi %mul3A_135, %add3A_136 : i32
      %dma_start3A_138 = tpu.memref_bitcast %arg5 : memref<1x50000xi32, #tpu.memory_space<vmem>> -> memref<1x50000xf32, #tpu.memory_space<vmem>>
      %dma_start3A_139 = arith.constant 0 : i32
      %dma_start3A_140 = tpu.memref_slice %dma_start3A_138[%cond3A, %dma_start3A_139] : memref<1x50000xf32, #tpu.memory_space<vmem>> -> memref<1x50000xf32, #tpu.memory_space<vmem>>
      %dma_start3A_141 = tpu.memref_squeeze %dma_start3A_140 : memref<1x50000xf32, #tpu.memory_space<vmem>> -> memref<50000xf32, #tpu.memory_space<vmem>>
      %dma_start3A_142 = arith.constant 0 : i32
      %dma_start3A_143 = tpu.memref_slice %dma_start3A_141[%dma_start3A_142] : memref<50000xf32, #tpu.memory_space<vmem>> -> memref<16000xf32, #tpu.memory_space<vmem>>
      %dma_start3A_144 = tpu.memref_slice %arg3[%add3A_137] : memref<1024000xf32, #tpu.memory_space<hbm>> -> memref<16000xf32, #tpu.memory_space<hbm>>
      %dma_start3A_145 = tpu.memref_slice %arg3[%add3A_137] : memref<1024000xf32, #tpu.memory_space<hbm>> -> memref<16000xf32, #tpu.memory_space<hbm>>
      %dma_start3A_146 = tpu.memref_bitcast %arg5 : memref<1x50000xi32, #tpu.memory_space<vmem>> -> memref<1x50000xf32, #tpu.memory_space<vmem>>
      %dma_start3A_147 = arith.constant 0 : i32
      %dma_start3A_148 = tpu.memref_slice %dma_start3A_146[%cond3A, %dma_start3A_147] : memref<1x50000xf32, #tpu.memory_space<vmem>> -> memref<1x50000xf32, #tpu.memory_space<vmem>>
      %dma_start3A_149 = tpu.memref_squeeze %dma_start3A_148 : memref<1x50000xf32, #tpu.memory_space<vmem>> -> memref<50000xf32, #tpu.memory_space<vmem>>
      %dma_start3A_150 = arith.constant 0 : i32
      %dma_start3A_151 = tpu.memref_slice %dma_start3A_149[%dma_start3A_150] : memref<50000xf32, #tpu.memory_space<vmem>> -> memref<16000xf32, #tpu.memory_space<vmem>>
      tpu.enqueue_dma source(%dma_start3A_151 : memref<16000xf32, #tpu.memory_space<vmem>>) target(%dma_start3A_145 : memref<16000xf32, #tpu.memory_space<hbm>>) target_semaphore(%arg10 : memref<!tpu.dma_semaphore, #tpu.memory_space<semaphore_mem>>)
      %mul3A_152 = arith.constant 64000 : i32
      %mul3A_153 = arith.muli %arg1, %mul3A_152 : i32
      %add3A_154 = arith.constant 32000 : i32
      %add3A_155 = arith.addi %mul3A_153, %add3A_154 : i32
      %dma_start3A_156 = tpu.memref_slice %arg8[%add3A_155] : memref<1024000xf32, #tpu.memory_space<vmem_shared>> -> memref<16000xf32, #tpu.memory_space<vmem_shared>>
      %dma_start3A_157 = tpu.memref_slice %arg8[%add3A_155] : memref<1024000xf32, #tpu.memory_space<vmem_shared>> -> memref<16000xf32, #tpu.memory_space<vmem_shared>>
      tpu.enqueue_dma source(%dma_start3A_157 : memref<16000xf32, #tpu.memory_space<vmem_shared>>) target(%arg6 : memref<16000xf32, #tpu.memory_space<vmem>>) target_semaphore(%arg9 : memref<!tpu.dma_semaphore, #tpu.memory_space<semaphore_mem>>)
      %dma_wait3A_158 = tpu.memref_slice %arg8[%add3A_155] : memref<1024000xf32, #tpu.memory_space<vmem_shared>> -> memref<16000xf32, #tpu.memory_space<vmem_shared>>
      %dma_wait3A_159 = tpu.memref_slice %arg8[%add3A_155] : memref<1024000xf32, #tpu.memory_space<vmem_shared>> -> memref<16000xf32, #tpu.memory_space<vmem_shared>>
      tpu.wait_dma2 semaphore(%arg9 : memref<!tpu.dma_semaphore, #tpu.memory_space<semaphore_mem>>) src(%dma_wait3A_159 : memref<16000xf32, #tpu.memory_space<vmem_shared>>) dst(%arg6 : memref<16000xf32, #tpu.memory_space<vmem>>)
      %dma_wait3A_160 = tpu.memref_bitcast %arg5 : memref<1x50000xi32, #tpu.memory_space<vmem>> -> memref<1x50000xf32, #tpu.memory_space<vmem>>
      %dma_wait3A_161 = arith.constant 0 : i32
      %dma_wait3A_162 = tpu.memref_slice %dma_wait3A_160[%cond3A, %dma_wait3A_161] : memref<1x50000xf32, #tpu.memory_space<vmem>> -> memref<1x50000xf32, #tpu.memory_space<vmem>>
      %dma_wait3A_163 = tpu.memref_squeeze %dma_wait3A_162 : memref<1x50000xf32, #tpu.memory_space<vmem>> -> memref<50000xf32, #tpu.memory_space<vmem>>
      %dma_wait3A_164 = arith.constant 0 : i32
      %dma_wait3A_165 = tpu.memref_slice %dma_wait3A_163[%dma_wait3A_164] : memref<50000xf32, #tpu.memory_space<vmem>> -> memref<16000xf32, #tpu.memory_space<vmem>>
      %dma_wait3A_166 = tpu.memref_slice %arg3[%add3A_137] : memref<1024000xf32, #tpu.memory_space<hbm>> -> memref<16000xf32, #tpu.memory_space<hbm>>
      %dma_wait3A_167 = tpu.memref_slice %arg3[%add3A_137] : memref<1024000xf32, #tpu.memory_space<hbm>> -> memref<16000xf32, #tpu.memory_space<hbm>>
      %dma_wait3A_168 = tpu.memref_bitcast %arg5 : memref<1x50000xi32, #tpu.memory_space<vmem>> -> memref<1x50000xf32, #tpu.memory_space<vmem>>
      %dma_wait3A_169 = arith.constant 0 : i32
      %dma_wait3A_170 = tpu.memref_slice %dma_wait3A_168[%cond3A, %dma_wait3A_169] : memref<1x50000xf32, #tpu.memory_space<vmem>> -> memref<1x50000xf32, #tpu.memory_space<vmem>>
      %dma_wait3A_171 = tpu.memref_squeeze %dma_wait3A_170 : memref<1x50000xf32, #tpu.memory_space<vmem>> -> memref<50000xf32, #tpu.memory_space<vmem>>
      %dma_wait3A_172 = arith.constant 0 : i32
      %dma_wait3A_173 = tpu.memref_slice %dma_wait3A_171[%dma_wait3A_172] : memref<50000xf32, #tpu.memory_space<vmem>> -> memref<16000xf32, #tpu.memory_space<vmem>>
      tpu.wait_dma2 semaphore(%arg10 : memref<!tpu.dma_semaphore, #tpu.memory_space<semaphore_mem>>) src(%dma_wait3A_173 : memref<16000xf32, #tpu.memory_space<vmem>>) dst(%dma_wait3A_167 : memref<16000xf32, #tpu.memory_space<hbm>>)
      %mul3A_174 = arith.constant 64000 : i32
      %mul3A_175 = arith.muli %arg1, %mul3A_174 : i32
      %add3A_176 = arith.constant 32000 : i32
      %add3A_177 = arith.addi %mul3A_175, %add3A_176 : i32
      %dma_start3A_178 = tpu.memref_slice %arg3[%add3A_177] : memref<1024000xf32, #tpu.memory_space<hbm>> -> memref<16000xf32, #tpu.memory_space<hbm>>
      %dma_start3A_179 = tpu.memref_slice %arg3[%add3A_177] : memref<1024000xf32, #tpu.memory_space<hbm>> -> memref<16000xf32, #tpu.memory_space<hbm>>
      tpu.enqueue_dma source(%arg6 : memref<16000xf32, #tpu.memory_space<vmem>>) target(%dma_start3A_179 : memref<16000xf32, #tpu.memory_space<hbm>>) target_semaphore(%arg10 : memref<!tpu.dma_semaphore, #tpu.memory_space<semaphore_mem>>)
      %mul3A_180 = arith.constant 64000 : i32
      %mul3A_181 = arith.muli %arg1, %mul3A_180 : i32
      %add3A_182 = arith.constant 48000 : i32
      %add3A_183 = arith.addi %mul3A_181, %add3A_182 : i32
      %dma_start3A_184 = tpu.memref_bitcast %arg5 : memref<1x50000xi32, #tpu.memory_space<vmem>> -> memref<1x50000xf32, #tpu.memory_space<vmem>>
      %dma_start3A_185 = arith.constant 0 : i32
      %dma_start3A_186 = tpu.memref_slice %dma_start3A_184[%cond3A, %dma_start3A_185] : memref<1x50000xf32, #tpu.memory_space<vmem>> -> memref<1x50000xf32, #tpu.memory_space<vmem>>
      %dma_start3A_187 = tpu.memref_squeeze %dma_start3A_186 : memref<1x50000xf32, #tpu.memory_space<vmem>> -> memref<50000xf32, #tpu.memory_space<vmem>>
      %dma_start3A_188 = arith.constant 0 : i32
      %dma_start3A_189 = tpu.memref_slice %dma_start3A_187[%dma_start3A_188] : memref<50000xf32, #tpu.memory_space<vmem>> -> memref<16000xf32, #tpu.memory_space<vmem>>
      %dma_start3A_190 = tpu.memref_slice %arg8[%add3A_183] : memref<1024000xf32, #tpu.memory_space<vmem_shared>> -> memref<16000xf32, #tpu.memory_space<vmem_shared>>
      %dma_start3A_191 = tpu.memref_bitcast %arg5 : memref<1x50000xi32, #tpu.memory_space<vmem>> -> memref<1x50000xf32, #tpu.memory_space<vmem>>
      %dma_start3A_192 = arith.constant 0 : i32
      %dma_start3A_193 = tpu.memref_slice %dma_start3A_191[%cond3A, %dma_start3A_192] : memref<1x50000xf32, #tpu.memory_space<vmem>> -> memref<1x50000xf32, #tpu.memory_space<vmem>>
      %dma_start3A_194 = tpu.memref_squeeze %dma_start3A_193 : memref<1x50000xf32, #tpu.memory_space<vmem>> -> memref<50000xf32, #tpu.memory_space<vmem>>
      %dma_start3A_195 = arith.constant 0 : i32
      %dma_start3A_196 = tpu.memref_slice %dma_start3A_194[%dma_start3A_195] : memref<50000xf32, #tpu.memory_space<vmem>> -> memref<16000xf32, #tpu.memory_space<vmem>>
      %dma_start3A_197 = tpu.memref_slice %arg8[%add3A_183] : memref<1024000xf32, #tpu.memory_space<vmem_shared>> -> memref<16000xf32, #tpu.memory_space<vmem_shared>>
      tpu.enqueue_dma source(%dma_start3A_197 : memref<16000xf32, #tpu.memory_space<vmem_shared>>) target(%dma_start3A_196 : memref<16000xf32, #tpu.memory_space<vmem>>) target_semaphore(%arg9 : memref<!tpu.dma_semaphore, #tpu.memory_space<semaphore_mem>>)
      %dma_wait3A_198 = tpu.memref_bitcast %arg5 : memref<1x50000xi32, #tpu.memory_space<vmem>> -> memref<1x50000xf32, #tpu.memory_space<vmem>>
      %dma_wait3A_199 = arith.constant 0 : i32
      %dma_wait3A_200 = tpu.memref_slice %dma_wait3A_198[%cond3A, %dma_wait3A_199] : memref<1x50000xf32, #tpu.memory_space<vmem>> -> memref<1x50000xf32, #tpu.memory_space<vmem>>
      %dma_wait3A_201 = tpu.memref_squeeze %dma_wait3A_200 : memref<1x50000xf32, #tpu.memory_space<vmem>> -> memref<50000xf32, #tpu.memory_space<vmem>>
      %dma_wait3A_202 = arith.constant 0 : i32
      %dma_wait3A_203 = tpu.memref_slice %dma_wait3A_201[%dma_wait3A_202] : memref<50000xf32, #tpu.memory_space<vmem>> -> memref<16000xf32, #tpu.memory_space<vmem>>
      %dma_wait3A_204 = tpu.memref_slice %arg8[%add3A_183] : memref<1024000xf32, #tpu.memory_space<vmem_shared>> -> memref<16000xf32, #tpu.memory_space<vmem_shared>>
      %dma_wait3A_205 = tpu.memref_bitcast %arg5 : memref<1x50000xi32, #tpu.memory_space<vmem>> -> memref<1x50000xf32, #tpu.memory_space<vmem>>
      %dma_wait3A_206 = arith.constant 0 : i32
      %dma_wait3A_207 = tpu.memref_slice %dma_wait3A_205[%cond3A, %dma_wait3A_206] : memref<1x50000xf32, #tpu.memory_space<vmem>> -> memref<1x50000xf32, #tpu.memory_space<vmem>>
      %dma_wait3A_208 = tpu.memref_squeeze %dma_wait3A_207 : memref<1x50000xf32, #tpu.memory_space<vmem>> -> memref<50000xf32, #tpu.memory_space<vmem>>
      %dma_wait3A_209 = arith.constant 0 : i32
      %dma_wait3A_210 = tpu.memref_slice %dma_wait3A_208[%dma_wait3A_209] : memref<50000xf32, #tpu.memory_space<vmem>> -> memref<16000xf32, #tpu.memory_space<vmem>>
      %dma_wait3A_211 = tpu.memref_slice %arg8[%add3A_183] : memref<1024000xf32, #tpu.memory_space<vmem_shared>> -> memref<16000xf32, #tpu.memory_space<vmem_shared>>
      tpu.wait_dma2 semaphore(%arg9 : memref<!tpu.dma_semaphore, #tpu.memory_space<semaphore_mem>>) src(%dma_wait3A_211 : memref<16000xf32, #tpu.memory_space<vmem_shared>>) dst(%dma_wait3A_210 : memref<16000xf32, #tpu.memory_space<vmem>>)
      %dma_wait3A_212 = tpu.memref_slice %arg3[%add3A_177] : memref<1024000xf32, #tpu.memory_space<hbm>> -> memref<16000xf32, #tpu.memory_space<hbm>>
      %dma_wait3A_213 = tpu.memref_slice %arg3[%add3A_177] : memref<1024000xf32, #tpu.memory_space<hbm>> -> memref<16000xf32, #tpu.memory_space<hbm>>
      tpu.wait_dma2 semaphore(%arg10 : memref<!tpu.dma_semaphore, #tpu.memory_space<semaphore_mem>>) src(%arg6 : memref<16000xf32, #tpu.memory_space<vmem>>) dst(%dma_wait3A_213 : memref<16000xf32, #tpu.memory_space<hbm>>)
      %mul3A_214 = arith.constant 64000 : i32
      %mul3A_215 = arith.muli %arg1, %mul3A_214 : i32
      %add3A_216 = arith.constant 48000 : i32
      %add3A_217 = arith.addi %mul3A_215, %add3A_216 : i32
      %dma_start3A_218 = tpu.memref_bitcast %arg5 : memref<1x50000xi32, #tpu.memory_space<vmem>> -> memref<1x50000xf32, #tpu.memory_space<vmem>>
      %dma_start3A_219 = arith.constant 0 : i32
      %dma_start3A_220 = tpu.memref_slice %dma_start3A_218[%cond3A, %dma_start3A_219] : memref<1x50000xf32, #tpu.memory_space<vmem>> -> memref<1x50000xf32, #tpu.memory_space<vmem>>
      %dma_start3A_221 = tpu.memref_squeeze %dma_start3A_220 : memref<1x50000xf32, #tpu.memory_space<vmem>> -> memref<50000xf32, #tpu.memory_space<vmem>>
      %dma_start3A_222 = arith.constant 0 : i32
      %dma_start3A_223 = tpu.memref_slice %dma_start3A_221[%dma_start3A_222] : memref<50000xf32, #tpu.memory_space<vmem>> -> memref<16000xf32, #tpu.memory_space<vmem>>
      %dma_start3A_224 = tpu.memref_slice %arg3[%add3A_217] : memref<1024000xf32, #tpu.memory_space<hbm>> -> memref<16000xf32, #tpu.memory_space<hbm>>
      %dma_start3A_225 = tpu.memref_slice %arg3[%add3A_217] : memref<1024000xf32, #tpu.memory_space<hbm>> -> memref<16000xf32, #tpu.memory_space<hbm>>
      %dma_start3A_226 = tpu.memref_bitcast %arg5 : memref<1x50000xi32, #tpu.memory_space<vmem>> -> memref<1x50000xf32, #tpu.memory_space<vmem>>
      %dma_start3A_227 = arith.constant 0 : i32
      %dma_start3A_228 = tpu.memref_slice %dma_start3A_226[%cond3A, %dma_start3A_227] : memref<1x50000xf32, #tpu.memory_space<vmem>> -> memref<1x50000xf32, #tpu.memory_space<vmem>>
      %dma_start3A_229 = tpu.memref_squeeze %dma_start3A_228 : memref<1x50000xf32, #tpu.memory_space<vmem>> -> memref<50000xf32, #tpu.memory_space<vmem>>
      %dma_start3A_230 = arith.constant 0 : i32
      %dma_start3A_231 = tpu.memref_slice %dma_start3A_229[%dma_start3A_230] : memref<50000xf32, #tpu.memory_space<vmem>> -> memref<16000xf32, #tpu.memory_space<vmem>>
      tpu.enqueue_dma source(%dma_start3A_231 : memref<16000xf32, #tpu.memory_space<vmem>>) target(%dma_start3A_225 : memref<16000xf32, #tpu.memory_space<hbm>>) target_semaphore(%arg10 : memref<!tpu.dma_semaphore, #tpu.memory_space<semaphore_mem>>)
      %dma_wait3A_232 = tpu.memref_bitcast %arg5 : memref<1x50000xi32, #tpu.memory_space<vmem>> -> memref<1x50000xf32, #tpu.memory_space<vmem>>
      %dma_wait3A_233 = arith.constant 0 : i32
      %dma_wait3A_234 = tpu.memref_slice %dma_wait3A_232[%cond3A, %dma_wait3A_233] : memref<1x50000xf32, #tpu.memory_space<vmem>> -> memref<1x50000xf32, #tpu.memory_space<vmem>>
      %dma_wait3A_235 = tpu.memref_squeeze %dma_wait3A_234 : memref<1x50000xf32, #tpu.memory_space<vmem>> -> memref<50000xf32, #tpu.memory_space<vmem>>
      %dma_wait3A_236 = arith.constant 0 : i32
      %dma_wait3A_237 = tpu.memref_slice %dma_wait3A_235[%dma_wait3A_236] : memref<50000xf32, #tpu.memory_space<vmem>> -> memref<16000xf32, #tpu.memory_space<vmem>>
      %dma_wait3A_238 = tpu.memref_slice %arg3[%add3A_217] : memref<1024000xf32, #tpu.memory_space<hbm>> -> memref<16000xf32, #tpu.memory_space<hbm>>
      %dma_wait3A_239 = tpu.memref_slice %arg3[%add3A_217] : memref<1024000xf32, #tpu.memory_space<hbm>> -> memref<16000xf32, #tpu.memory_space<hbm>>
      %dma_wait3A_240 = tpu.memref_bitcast %arg5 : memref<1x50000xi32, #tpu.memory_space<vmem>> -> memref<1x50000xf32, #tpu.memory_space<vmem>>
      %dma_wait3A_241 = arith.constant 0 : i32
      %dma_wait3A_242 = tpu.memref_slice %dma_wait3A_240[%cond3A, %dma_wait3A_241] : memref<1x50000xf32, #tpu.memory_space<vmem>> -> memref<1x50000xf32, #tpu.memory_space<vmem>>
      %dma_wait3A_243 = tpu.memref_squeeze %dma_wait3A_242 : memref<1x50000xf32, #tpu.memory_space<vmem>> -> memref<50000xf32, #tpu.memory_space<vmem>>
      %dma_wait3A_244 = arith.constant 0 : i32
      %dma_wait3A_245 = tpu.memref_slice %dma_wait3A_243[%dma_wait3A_244] : memref<50000xf32, #tpu.memory_space<vmem>> -> memref<16000xf32, #tpu.memory_space<vmem>>
      tpu.wait_dma2 semaphore(%arg10 : memref<!tpu.dma_semaphore, #tpu.memory_space<semaphore_mem>>) src(%dma_wait3A_245 : memref<16000xf32, #tpu.memory_space<vmem>>) dst(%dma_wait3A_239 : memref<16000xf32, #tpu.memory_space<hbm>>)
    } else {
    }
    %eq3A_80 = arith.constant 1 : i32
    %eq3A_81 = arith.cmpi eq, %arg0, %eq3A_80 : i32
    %convert_element_type3A_82 = arith.extui %eq3A_81 : i1 to i32
    %cond3A_83 = arith.constant 0 : i32
    %cond3A_84 = arith.constant 0 : i32
    %cond3A_85 = arith.cmpi ne, %convert_element_type3A_82, %cond3A_84 : i32
    scf.if %cond3A_85 {
      %mul3A_86 = arith.constant 64000 : i32
      %mul3A_87 = arith.muli %arg1, %mul3A_86 : i32
      %add3A_88 = arith.constant 0 : i32
      %add3A_89 = arith.addi %mul3A_87, %add3A_88 : i32
      %dma_start3A_90 = tpu.memref_slice %arg8[%add3A_89] : memref<1024000xf32, #tpu.memory_space<vmem_shared>> -> memref<16000xf32, #tpu.memory_space<vmem_shared>>
      %dma_start3A_91 = tpu.memref_slice %arg8[%add3A_89] : memref<1024000xf32, #tpu.memory_space<vmem_shared>> -> memref<16000xf32, #tpu.memory_space<vmem_shared>>
      tpu.enqueue_dma source(%dma_start3A_91 : memref<16000xf32, #tpu.memory_space<vmem_shared>>) target(%arg6 : memref<16000xf32, #tpu.memory_space<vmem>>) target_semaphore(%arg9 : memref<!tpu.dma_semaphore, #tpu.memory_space<semaphore_mem>>)
      %dma_wait3A_92 = tpu.memref_slice %arg8[%add3A_89] : memref<1024000xf32, #tpu.memory_space<vmem_shared>> -> memref<16000xf32, #tpu.memory_space<vmem_shared>>
      %dma_wait3A_93 = tpu.memref_slice %arg8[%add3A_89] : memref<1024000xf32, #tpu.memory_space<vmem_shared>> -> memref<16000xf32, #tpu.memory_space<vmem_shared>>
      tpu.wait_dma2 semaphore(%arg9 : memref<!tpu.dma_semaphore, #tpu.memory_space<semaphore_mem>>) src(%dma_wait3A_93 : memref<16000xf32, #tpu.memory_space<vmem_shared>>) dst(%arg6 : memref<16000xf32, #tpu.memory_space<vmem>>)
      %mul3A_94 = arith.constant 64000 : i32
      %mul3A_95 = arith.muli %arg1, %mul3A_94 : i32
      %add3A_96 = arith.constant 0 : i32
      %add3A_97 = arith.addi %mul3A_95, %add3A_96 : i32
      %dma_start3A_98 = tpu.memref_slice %arg4[%add3A_97] : memref<1024000xf32, #tpu.memory_space<hbm>> -> memref<16000xf32, #tpu.memory_space<hbm>>
      %dma_start3A_99 = tpu.memref_slice %arg4[%add3A_97] : memref<1024000xf32, #tpu.memory_space<hbm>> -> memref<16000xf32, #tpu.memory_space<hbm>>
      tpu.enqueue_dma source(%arg6 : memref<16000xf32, #tpu.memory_space<vmem>>) target(%dma_start3A_99 : memref<16000xf32, #tpu.memory_space<hbm>>) target_semaphore(%arg10 : memref<!tpu.dma_semaphore, #tpu.memory_space<semaphore_mem>>)
      %mul3A_100 = arith.constant 64000 : i32
      %mul3A_101 = arith.muli %arg1, %mul3A_100 : i32
      %add3A_102 = arith.constant 16000 : i32
      %add3A_103 = arith.addi %mul3A_101, %add3A_102 : i32
      %dma_start3A_104 = tpu.memref_bitcast %arg5 : memref<1x50000xi32, #tpu.memory_space<vmem>> -> memref<1x50000xf32, #tpu.memory_space<vmem>>
      %dma_start3A_105 = arith.constant 0 : i32
      %dma_start3A_106 = tpu.memref_slice %dma_start3A_104[%cond3A_83, %dma_start3A_105] : memref<1x50000xf32, #tpu.memory_space<vmem>> -> memref<1x50000xf32, #tpu.memory_space<vmem>>
      %dma_start3A_107 = tpu.memref_squeeze %dma_start3A_106 : memref<1x50000xf32, #tpu.memory_space<vmem>> -> memref<50000xf32, #tpu.memory_space<vmem>>
      %dma_start3A_108 = arith.constant 0 : i32
      %dma_start3A_109 = tpu.memref_slice %dma_start3A_107[%dma_start3A_108] : memref<50000xf32, #tpu.memory_space<vmem>> -> memref<16000xf32, #tpu.memory_space<vmem>>
      %dma_start3A_110 = tpu.memref_slice %arg8[%add3A_103] : memref<1024000xf32, #tpu.memory_space<vmem_shared>> -> memref<16000xf32, #tpu.memory_space<vmem_shared>>
      %dma_start3A_111 = tpu.memref_bitcast %arg5 : memref<1x50000xi32, #tpu.memory_space<vmem>> -> memref<1x50000xf32, #tpu.memory_space<vmem>>
      %dma_start3A_112 = arith.constant 0 : i32
      %dma_start3A_113 = tpu.memref_slice %dma_start3A_111[%cond3A_83, %dma_start3A_112] : memref<1x50000xf32, #tpu.memory_space<vmem>> -> memref<1x50000xf32, #tpu.memory_space<vmem>>
      %dma_start3A_114 = tpu.memref_squeeze %dma_start3A_113 : memref<1x50000xf32, #tpu.memory_space<vmem>> -> memref<50000xf32, #tpu.memory_space<vmem>>
      %dma_start3A_115 = arith.constant 0 : i32
      %dma_start3A_116 = tpu.memref_slice %dma_start3A_114[%dma_start3A_115] : memref<50000xf32, #tpu.memory_space<vmem>> -> memref<16000xf32, #tpu.memory_space<vmem>>
      %dma_start3A_117 = tpu.memref_slice %arg8[%add3A_103] : memref<1024000xf32, #tpu.memory_space<vmem_shared>> -> memref<16000xf32, #tpu.memory_space<vmem_shared>>
      tpu.enqueue_dma source(%dma_start3A_117 : memref<16000xf32, #tpu.memory_space<vmem_shared>>) target(%dma_start3A_116 : memref<16000xf32, #tpu.memory_space<vmem>>) target_semaphore(%arg9 : memref<!tpu.dma_semaphore, #tpu.memory_space<semaphore_mem>>)
      %dma_wait3A_118 = tpu.memref_bitcast %arg5 : memref<1x50000xi32, #tpu.memory_space<vmem>> -> memref<1x50000xf32, #tpu.memory_space<vmem>>
      %dma_wait3A_119 = arith.constant 0 : i32
      %dma_wait3A_120 = tpu.memref_slice %dma_wait3A_118[%cond3A_83, %dma_wait3A_119] : memref<1x50000xf32, #tpu.memory_space<vmem>> -> memref<1x50000xf32, #tpu.memory_space<vmem>>
      %dma_wait3A_121 = tpu.memref_squeeze %dma_wait3A_120 : memref<1x50000xf32, #tpu.memory_space<vmem>> -> memref<50000xf32, #tpu.memory_space<vmem>>
      %dma_wait3A_122 = arith.constant 0 : i32
      %dma_wait3A_123 = tpu.memref_slice %dma_wait3A_121[%dma_wait3A_122] : memref<50000xf32, #tpu.memory_space<vmem>> -> memref<16000xf32, #tpu.memory_space<vmem>>
      %dma_wait3A_124 = tpu.memref_slice %arg8[%add3A_103] : memref<1024000xf32, #tpu.memory_space<vmem_shared>> -> memref<16000xf32, #tpu.memory_space<vmem_shared>>
      %dma_wait3A_125 = tpu.memref_bitcast %arg5 : memref<1x50000xi32, #tpu.memory_space<vmem>> -> memref<1x50000xf32, #tpu.memory_space<vmem>>
      %dma_wait3A_126 = arith.constant 0 : i32
      %dma_wait3A_127 = tpu.memref_slice %dma_wait3A_125[%cond3A_83, %dma_wait3A_126] : memref<1x50000xf32, #tpu.memory_space<vmem>> -> memref<1x50000xf32, #tpu.memory_space<vmem>>
      %dma_wait3A_128 = tpu.memref_squeeze %dma_wait3A_127 : memref<1x50000xf32, #tpu.memory_space<vmem>> -> memref<50000xf32, #tpu.memory_space<vmem>>
      %dma_wait3A_129 = arith.constant 0 : i32
      %dma_wait3A_130 = tpu.memref_slice %dma_wait3A_128[%dma_wait3A_129] : memref<50000xf32, #tpu.memory_space<vmem>> -> memref<16000xf32, #tpu.memory_space<vmem>>
      %dma_wait3A_131 = tpu.memref_slice %arg8[%add3A_103] : memref<1024000xf32, #tpu.memory_space<vmem_shared>> -> memref<16000xf32, #tpu.memory_space<vmem_shared>>
      tpu.wait_dma2 semaphore(%arg9 : memref<!tpu.dma_semaphore, #tpu.memory_space<semaphore_mem>>) src(%dma_wait3A_131 : memref<16000xf32, #tpu.memory_space<vmem_shared>>) dst(%dma_wait3A_130 : memref<16000xf32, #tpu.memory_space<vmem>>)
      %dma_wait3A_132 = tpu.memref_slice %arg4[%add3A_97] : memref<1024000xf32, #tpu.memory_space<hbm>> -> memref<16000xf32, #tpu.memory_space<hbm>>
      %dma_wait3A_133 = tpu.memref_slice %arg4[%add3A_97] : memref<1024000xf32, #tpu.memory_space<hbm>> -> memref<16000xf32, #tpu.memory_space<hbm>>
      tpu.wait_dma2 semaphore(%arg10 : memref<!tpu.dma_semaphore, #tpu.memory_space<semaphore_mem>>) src(%arg6 : memref<16000xf32, #tpu.memory_space<vmem>>) dst(%dma_wait3A_133 : memref<16000xf32, #tpu.memory_space<hbm>>)
      %mul3A_134 = arith.constant 64000 : i32
      %mul3A_135 = arith.muli %arg1, %mul3A_134 : i32
      %add3A_136 = arith.constant 16000 : i32
      %add3A_137 = arith.addi %mul3A_135, %add3A_136 : i32
      %dma_start3A_138 = tpu.memref_bitcast %arg5 : memref<1x50000xi32, #tpu.memory_space<vmem>> -> memref<1x50000xf32, #tpu.memory_space<vmem>>
      %dma_start3A_139 = arith.constant 0 : i32
      %dma_start3A_140 = tpu.memref_slice %dma_start3A_138[%cond3A_83, %dma_start3A_139] : memref<1x50000xf32, #tpu.memory_space<vmem>> -> memref<1x50000xf32, #tpu.memory_space<vmem>>
      %dma_start3A_141 = tpu.memref_squeeze %dma_start3A_140 : memref<1x50000xf32, #tpu.memory_space<vmem>> -> memref<50000xf32, #tpu.memory_space<vmem>>
      %dma_start3A_142 = arith.constant 0 : i32
      %dma_start3A_143 = tpu.memref_slice %dma_start3A_141[%dma_start3A_142] : memref<50000xf32, #tpu.memory_space<vmem>> -> memref<16000xf32, #tpu.memory_space<vmem>>
      %dma_start3A_144 = tpu.memref_slice %arg4[%add3A_137] : memref<1024000xf32, #tpu.memory_space<hbm>> -> memref<16000xf32, #tpu.memory_space<hbm>>
      %dma_start3A_145 = tpu.memref_slice %arg4[%add3A_137] : memref<1024000xf32, #tpu.memory_space<hbm>> -> memref<16000xf32, #tpu.memory_space<hbm>>
      %dma_start3A_146 = tpu.memref_bitcast %arg5 : memref<1x50000xi32, #tpu.memory_space<vmem>> -> memref<1x50000xf32, #tpu.memory_space<vmem>>
      %dma_start3A_147 = arith.constant 0 : i32
      %dma_start3A_148 = tpu.memref_slice %dma_start3A_146[%cond3A_83, %dma_start3A_147] : memref<1x50000xf32, #tpu.memory_space<vmem>> -> memref<1x50000xf32, #tpu.memory_space<vmem>>
      %dma_start3A_149 = tpu.memref_squeeze %dma_start3A_148 : memref<1x50000xf32, #tpu.memory_space<vmem>> -> memref<50000xf32, #tpu.memory_space<vmem>>
      %dma_start3A_150 = arith.constant 0 : i32
      %dma_start3A_151 = tpu.memref_slice %dma_start3A_149[%dma_start3A_150] : memref<50000xf32, #tpu.memory_space<vmem>> -> memref<16000xf32, #tpu.memory_space<vmem>>
      tpu.enqueue_dma source(%dma_start3A_151 : memref<16000xf32, #tpu.memory_space<vmem>>) target(%dma_start3A_145 : memref<16000xf32, #tpu.memory_space<hbm>>) target_semaphore(%arg10 : memref<!tpu.dma_semaphore, #tpu.memory_space<semaphore_mem>>)
      %mul3A_152 = arith.constant 64000 : i32
      %mul3A_153 = arith.muli %arg1, %mul3A_152 : i32
      %add3A_154 = arith.constant 32000 : i32
      %add3A_155 = arith.addi %mul3A_153, %add3A_154 : i32
      %dma_start3A_156 = tpu.memref_slice %arg8[%add3A_155] : memref<1024000xf32, #tpu.memory_space<vmem_shared>> -> memref<16000xf32, #tpu.memory_space<vmem_shared>>
      %dma_start3A_157 = tpu.memref_slice %arg8[%add3A_155] : memref<1024000xf32, #tpu.memory_space<vmem_shared>> -> memref<16000xf32, #tpu.memory_space<vmem_shared>>
      tpu.enqueue_dma source(%dma_start3A_157 : memref<16000xf32, #tpu.memory_space<vmem_shared>>) target(%arg6 : memref<16000xf32, #tpu.memory_space<vmem>>) target_semaphore(%arg9 : memref<!tpu.dma_semaphore, #tpu.memory_space<semaphore_mem>>)
      %dma_wait3A_158 = tpu.memref_slice %arg8[%add3A_155] : memref<1024000xf32, #tpu.memory_space<vmem_shared>> -> memref<16000xf32, #tpu.memory_space<vmem_shared>>
      %dma_wait3A_159 = tpu.memref_slice %arg8[%add3A_155] : memref<1024000xf32, #tpu.memory_space<vmem_shared>> -> memref<16000xf32, #tpu.memory_space<vmem_shared>>
      tpu.wait_dma2 semaphore(%arg9 : memref<!tpu.dma_semaphore, #tpu.memory_space<semaphore_mem>>) src(%dma_wait3A_159 : memref<16000xf32, #tpu.memory_space<vmem_shared>>) dst(%arg6 : memref<16000xf32, #tpu.memory_space<vmem>>)
      %dma_wait3A_160 = tpu.memref_bitcast %arg5 : memref<1x50000xi32, #tpu.memory_space<vmem>> -> memref<1x50000xf32, #tpu.memory_space<vmem>>
      %dma_wait3A_161 = arith.constant 0 : i32
      %dma_wait3A_162 = tpu.memref_slice %dma_wait3A_160[%cond3A_83, %dma_wait3A_161] : memref<1x50000xf32, #tpu.memory_space<vmem>> -> memref<1x50000xf32, #tpu.memory_space<vmem>>
      %dma_wait3A_163 = tpu.memref_squeeze %dma_wait3A_162 : memref<1x50000xf32, #tpu.memory_space<vmem>> -> memref<50000xf32, #tpu.memory_space<vmem>>
      %dma_wait3A_164 = arith.constant 0 : i32
      %dma_wait3A_165 = tpu.memref_slice %dma_wait3A_163[%dma_wait3A_164] : memref<50000xf32, #tpu.memory_space<vmem>> -> memref<16000xf32, #tpu.memory_space<vmem>>
      %dma_wait3A_166 = tpu.memref_slice %arg4[%add3A_137] : memref<1024000xf32, #tpu.memory_space<hbm>> -> memref<16000xf32, #tpu.memory_space<hbm>>
      %dma_wait3A_167 = tpu.memref_slice %arg4[%add3A_137] : memref<1024000xf32, #tpu.memory_space<hbm>> -> memref<16000xf32, #tpu.memory_space<hbm>>
      %dma_wait3A_168 = tpu.memref_bitcast %arg5 : memref<1x50000xi32, #tpu.memory_space<vmem>> -> memref<1x50000xf32, #tpu.memory_space<vmem>>
      %dma_wait3A_169 = arith.constant 0 : i32
      %dma_wait3A_170 = tpu.memref_slice %dma_wait3A_168[%cond3A_83, %dma_wait3A_169] : memref<1x50000xf32, #tpu.memory_space<vmem>> -> memref<1x50000xf32, #tpu.memory_space<vmem>>
      %dma_wait3A_171 = tpu.memref_squeeze %dma_wait3A_170 : memref<1x50000xf32, #tpu.memory_space<vmem>> -> memref<50000xf32, #tpu.memory_space<vmem>>
      %dma_wait3A_172 = arith.constant 0 : i32
      %dma_wait3A_173 = tpu.memref_slice %dma_wait3A_171[%dma_wait3A_172] : memref<50000xf32, #tpu.memory_space<vmem>> -> memref<16000xf32, #tpu.memory_space<vmem>>
      tpu.wait_dma2 semaphore(%arg10 : memref<!tpu.dma_semaphore, #tpu.memory_space<semaphore_mem>>) src(%dma_wait3A_173 : memref<16000xf32, #tpu.memory_space<vmem>>) dst(%dma_wait3A_167 : memref<16000xf32, #tpu.memory_space<hbm>>)
      %mul3A_174 = arith.constant 64000 : i32
      %mul3A_175 = arith.muli %arg1, %mul3A_174 : i32
      %add3A_176 = arith.constant 32000 : i32
      %add3A_177 = arith.addi %mul3A_175, %add3A_176 : i32
      %dma_start3A_178 = tpu.memref_slice %arg4[%add3A_177] : memref<1024000xf32, #tpu.memory_space<hbm>> -> memref<16000xf32, #tpu.memory_space<hbm>>
      %dma_start3A_179 = tpu.memref_slice %arg4[%add3A_177] : memref<1024000xf32, #tpu.memory_space<hbm>> -> memref<16000xf32, #tpu.memory_space<hbm>>
      tpu.enqueue_dma source(%arg6 : memref<16000xf32, #tpu.memory_space<vmem>>) target(%dma_start3A_179 : memref<16000xf32, #tpu.memory_space<hbm>>) target_semaphore(%arg10 : memref<!tpu.dma_semaphore, #tpu.memory_space<semaphore_mem>>)
      %mul3A_180 = arith.constant 64000 : i32
      %mul3A_181 = arith.muli %arg1, %mul3A_180 : i32
      %add3A_182 = arith.constant 48000 : i32
      %add3A_183 = arith.addi %mul3A_181, %add3A_182 : i32
      %dma_start3A_184 = tpu.memref_bitcast %arg5 : memref<1x50000xi32, #tpu.memory_space<vmem>> -> memref<1x50000xf32, #tpu.memory_space<vmem>>
      %dma_start3A_185 = arith.constant 0 : i32
      %dma_start3A_186 = tpu.memref_slice %dma_start3A_184[%cond3A_83, %dma_start3A_185] : memref<1x50000xf32, #tpu.memory_space<vmem>> -> memref<1x50000xf32, #tpu.memory_space<vmem>>
      %dma_start3A_187 = tpu.memref_squeeze %dma_start3A_186 : memref<1x50000xf32, #tpu.memory_space<vmem>> -> memref<50000xf32, #tpu.memory_space<vmem>>
      %dma_start3A_188 = arith.constant 0 : i32
      %dma_start3A_189 = tpu.memref_slice %dma_start3A_187[%dma_start3A_188] : memref<50000xf32, #tpu.memory_space<vmem>> -> memref<16000xf32, #tpu.memory_space<vmem>>
      %dma_start3A_190 = tpu.memref_slice %arg8[%add3A_183] : memref<1024000xf32, #tpu.memory_space<vmem_shared>> -> memref<16000xf32, #tpu.memory_space<vmem_shared>>
      %dma_start3A_191 = tpu.memref_bitcast %arg5 : memref<1x50000xi32, #tpu.memory_space<vmem>> -> memref<1x50000xf32, #tpu.memory_space<vmem>>
      %dma_start3A_192 = arith.constant 0 : i32
      %dma_start3A_193 = tpu.memref_slice %dma_start3A_191[%cond3A_83, %dma_start3A_192] : memref<1x50000xf32, #tpu.memory_space<vmem>> -> memref<1x50000xf32, #tpu.memory_space<vmem>>
      %dma_start3A_194 = tpu.memref_squeeze %dma_start3A_193 : memref<1x50000xf32, #tpu.memory_space<vmem>> -> memref<50000xf32, #tpu.memory_space<vmem>>
      %dma_start3A_195 = arith.constant 0 : i32
      %dma_start3A_196 = tpu.memref_slice %dma_start3A_194[%dma_start3A_195] : memref<50000xf32, #tpu.memory_space<vmem>> -> memref<16000xf32, #tpu.memory_space<vmem>>
      %dma_start3A_197 = tpu.memref_slice %arg8[%add3A_183] : memref<1024000xf32, #tpu.memory_space<vmem_shared>> -> memref<16000xf32, #tpu.memory_space<vmem_shared>>
      tpu.enqueue_dma source(%dma_start3A_197 : memref<16000xf32, #tpu.memory_space<vmem_shared>>) target(%dma_start3A_196 : memref<16000xf32, #tpu.memory_space<vmem>>) target_semaphore(%arg9 : memref<!tpu.dma_semaphore, #tpu.memory_space<semaphore_mem>>)
      %dma_wait3A_198 = tpu.memref_bitcast %arg5 : memref<1x50000xi32, #tpu.memory_space<vmem>> -> memref<1x50000xf32, #tpu.memory_space<vmem>>
      %dma_wait3A_199 = arith.constant 0 : i32
      %dma_wait3A_200 = tpu.memref_slice %dma_wait3A_198[%cond3A_83, %dma_wait3A_199] : memref<1x50000xf32, #tpu.memory_space<vmem>> -> memref<1x50000xf32, #tpu.memory_space<vmem>>
      %dma_wait3A_201 = tpu.memref_squeeze %dma_wait3A_200 : memref<1x50000xf32, #tpu.memory_space<vmem>> -> memref<50000xf32, #tpu.memory_space<vmem>>
      %dma_wait3A_202 = arith.constant 0 : i32
      %dma_wait3A_203 = tpu.memref_slice %dma_wait3A_201[%dma_wait3A_202] : memref<50000xf32, #tpu.memory_space<vmem>> -> memref<16000xf32, #tpu.memory_space<vmem>>
      %dma_wait3A_204 = tpu.memref_slice %arg8[%add3A_183] : memref<1024000xf32, #tpu.memory_space<vmem_shared>> -> memref<16000xf32, #tpu.memory_space<vmem_shared>>
      %dma_wait3A_205 = tpu.memref_bitcast %arg5 : memref<1x50000xi32, #tpu.memory_space<vmem>> -> memref<1x50000xf32, #tpu.memory_space<vmem>>
      %dma_wait3A_206 = arith.constant 0 : i32
      %dma_wait3A_207 = tpu.memref_slice %dma_wait3A_205[%cond3A_83, %dma_wait3A_206] : memref<1x50000xf32, #tpu.memory_space<vmem>> -> memref<1x50000xf32, #tpu.memory_space<vmem>>
      %dma_wait3A_208 = tpu.memref_squeeze %dma_wait3A_207 : memref<1x50000xf32, #tpu.memory_space<vmem>> -> memref<50000xf32, #tpu.memory_space<vmem>>
      %dma_wait3A_209 = arith.constant 0 : i32
      %dma_wait3A_210 = tpu.memref_slice %dma_wait3A_208[%dma_wait3A_209] : memref<50000xf32, #tpu.memory_space<vmem>> -> memref<16000xf32, #tpu.memory_space<vmem>>
      %dma_wait3A_211 = tpu.memref_slice %arg8[%add3A_183] : memref<1024000xf32, #tpu.memory_space<vmem_shared>> -> memref<16000xf32, #tpu.memory_space<vmem_shared>>
      tpu.wait_dma2 semaphore(%arg9 : memref<!tpu.dma_semaphore, #tpu.memory_space<semaphore_mem>>) src(%dma_wait3A_211 : memref<16000xf32, #tpu.memory_space<vmem_shared>>) dst(%dma_wait3A_210 : memref<16000xf32, #tpu.memory_space<vmem>>)
      %dma_wait3A_212 = tpu.memref_slice %arg4[%add3A_177] : memref<1024000xf32, #tpu.memory_space<hbm>> -> memref<16000xf32, #tpu.memory_space<hbm>>
      %dma_wait3A_213 = tpu.memref_slice %arg4[%add3A_177] : memref<1024000xf32, #tpu.memory_space<hbm>> -> memref<16000xf32, #tpu.memory_space<hbm>>
      tpu.wait_dma2 semaphore(%arg10 : memref<!tpu.dma_semaphore, #tpu.memory_space<semaphore_mem>>) src(%arg6 : memref<16000xf32, #tpu.memory_space<vmem>>) dst(%dma_wait3A_213 : memref<16000xf32, #tpu.memory_space<hbm>>)
      %mul3A_214 = arith.constant 64000 : i32
      %mul3A_215 = arith.muli %arg1, %mul3A_214 : i32
      %add3A_216 = arith.constant 48000 : i32
      %add3A_217 = arith.addi %mul3A_215, %add3A_216 : i32
      %dma_start3A_218 = tpu.memref_bitcast %arg5 : memref<1x50000xi32, #tpu.memory_space<vmem>> -> memref<1x50000xf32, #tpu.memory_space<vmem>>
      %dma_start3A_219 = arith.constant 0 : i32
      %dma_start3A_220 = tpu.memref_slice %dma_start3A_218[%cond3A_83, %dma_start3A_219] : memref<1x50000xf32, #tpu.memory_space<vmem>> -> memref<1x50000xf32, #tpu.memory_space<vmem>>
      %dma_start3A_221 = tpu.memref_squeeze %dma_start3A_220 : memref<1x50000xf32, #tpu.memory_space<vmem>> -> memref<50000xf32, #tpu.memory_space<vmem>>
      %dma_start3A_222 = arith.constant 0 : i32
      %dma_start3A_223 = tpu.memref_slice %dma_start3A_221[%dma_start3A_222] : memref<50000xf32, #tpu.memory_space<vmem>> -> memref<16000xf32, #tpu.memory_space<vmem>>
      %dma_start3A_224 = tpu.memref_slice %arg4[%add3A_217] : memref<1024000xf32, #tpu.memory_space<hbm>> -> memref<16000xf32, #tpu.memory_space<hbm>>
      %dma_start3A_225 = tpu.memref_slice %arg4[%add3A_217] : memref<1024000xf32, #tpu.memory_space<hbm>> -> memref<16000xf32, #tpu.memory_space<hbm>>
      %dma_start3A_226 = tpu.memref_bitcast %arg5 : memref<1x50000xi32, #tpu.memory_space<vmem>> -> memref<1x50000xf32, #tpu.memory_space<vmem>>
      %dma_start3A_227 = arith.constant 0 : i32
      %dma_start3A_228 = tpu.memref_slice %dma_start3A_226[%cond3A_83, %dma_start3A_227] : memref<1x50000xf32, #tpu.memory_space<vmem>> -> memref<1x50000xf32, #tpu.memory_space<vmem>>
      %dma_start3A_229 = tpu.memref_squeeze %dma_start3A_228 : memref<1x50000xf32, #tpu.memory_space<vmem>> -> memref<50000xf32, #tpu.memory_space<vmem>>
      %dma_start3A_230 = arith.constant 0 : i32
      %dma_start3A_231 = tpu.memref_slice %dma_start3A_229[%dma_start3A_230] : memref<50000xf32, #tpu.memory_space<vmem>> -> memref<16000xf32, #tpu.memory_space<vmem>>
      tpu.enqueue_dma source(%dma_start3A_231 : memref<16000xf32, #tpu.memory_space<vmem>>) target(%dma_start3A_225 : memref<16000xf32, #tpu.memory_space<hbm>>) target_semaphore(%arg10 : memref<!tpu.dma_semaphore, #tpu.memory_space<semaphore_mem>>)
      %dma_wait3A_232 = tpu.memref_bitcast %arg5 : memref<1x50000xi32, #tpu.memory_space<vmem>> -> memref<1x50000xf32, #tpu.memory_space<vmem>>
      %dma_wait3A_233 = arith.constant 0 : i32
      %dma_wait3A_234 = tpu.memref_slice %dma_wait3A_232[%cond3A_83, %dma_wait3A_233] : memref<1x50000xf32, #tpu.memory_space<vmem>> -> memref<1x50000xf32, #tpu.memory_space<vmem>>
      %dma_wait3A_235 = tpu.memref_squeeze %dma_wait3A_234 : memref<1x50000xf32, #tpu.memory_space<vmem>> -> memref<50000xf32, #tpu.memory_space<vmem>>
      %dma_wait3A_236 = arith.constant 0 : i32
      %dma_wait3A_237 = tpu.memref_slice %dma_wait3A_235[%dma_wait3A_236] : memref<50000xf32, #tpu.memory_space<vmem>> -> memref<16000xf32, #tpu.memory_space<vmem>>
      %dma_wait3A_238 = tpu.memref_slice %arg4[%add3A_217] : memref<1024000xf32, #tpu.memory_space<hbm>> -> memref<16000xf32, #tpu.memory_space<hbm>>
      %dma_wait3A_239 = tpu.memref_slice %arg4[%add3A_217] : memref<1024000xf32, #tpu.memory_space<hbm>> -> memref<16000xf32, #tpu.memory_space<hbm>>
      %dma_wait3A_240 = tpu.memref_bitcast %arg5 : memref<1x50000xi32, #tpu.memory_space<vmem>> -> memref<1x50000xf32, #tpu.memory_space<vmem>>
      %dma_wait3A_241 = arith.constant 0 : i32
      %dma_wait3A_242 = tpu.memref_slice %dma_wait3A_240[%cond3A_83, %dma_wait3A_241] : memref<1x50000xf32, #tpu.memory_space<vmem>> -> memref<1x50000xf32, #tpu.memory_space<vmem>>
      %dma_wait3A_243 = tpu.memref_squeeze %dma_wait3A_242 : memref<1x50000xf32, #tpu.memory_space<vmem>> -> memref<50000xf32, #tpu.memory_space<vmem>>
      %dma_wait3A_244 = arith.constant 0 : i32
      %dma_wait3A_245 = tpu.memref_slice %dma_wait3A_243[%dma_wait3A_244] : memref<50000xf32, #tpu.memory_space<vmem>> -> memref<16000xf32, #tpu.memory_space<vmem>>
      tpu.wait_dma2 semaphore(%arg10 : memref<!tpu.dma_semaphore, #tpu.memory_space<semaphore_mem>>) src(%dma_wait3A_245 : memref<16000xf32, #tpu.memory_space<vmem>>) dst(%dma_wait3A_239 : memref<16000xf32, #tpu.memory_space<hbm>>)
    } else {
    }
    return
  }
}

module attributes {stable_mosaic.version = 14 : i64} {
  func.func @_tc_combine_body(%arg0: i32, %arg1: memref<512000xf32, #tpu.memory_space<vmem>>, %arg2: memref<512000xf32, #tpu.memory_space<vmem>>, %arg3: memref<512000xf32, #tpu.memory_space<vmem>>, %arg4: memref<512000xf32, #tpu.memory_space<vmem>>, %arg5: memref<512000xf32, #tpu.memory_space<vmem>>) attributes {dimension_semantics = [#tpu.dimension_semantics<arbitrary>], iteration_bounds = array<i64: 2>, scalar_prefetch = 0 : i64, scratch_operands = 0 : i64, tpu.core_type = #tpu.core_type<tc>, window_params = [{transform_indices = @transform_0, window_bounds = array<i64: 512000>}, {transform_indices = @transform_1, window_bounds = array<i64: 512000>}, {pipeline_mode = #tpu.pipeline_mode<synchronous>, transform_indices = @transform_2, window_bounds = array<i64: 512000>}, {pipeline_mode = #tpu.pipeline_mode<synchronous>, transform_indices = @transform_3, window_bounds = array<i64: 512000>}, {transform_indices = @transform_4, window_bounds = array<i64: 512000>}]} {
    %get3A = arith.constant 0 : index
    %get3A_0 = vector.load %arg1[%get3A] : memref<512000xf32, #tpu.memory_space<vmem>>, vector<512000xf32>
    %get3A_1 = arith.constant 0 : index
    %get3A_2 = vector.load %arg2[%get3A_1] : memref<512000xf32, #tpu.memory_space<vmem>>, vector<512000xf32>
    %add3A = arith.addf %get3A_0, %get3A_2 : vector<512000xf32>
    %get3A_3 = arith.constant 0 : index
    %get3A_4 = vector.load %arg3[%get3A_3] : memref<512000xf32, #tpu.memory_space<vmem>>, vector<512000xf32>
    %mul3A = arith.mulf %add3A, %get3A_4 : vector<512000xf32>
    %get3A_5 = arith.constant 0 : index
    %get3A_6 = vector.load %arg4[%get3A_5] : memref<512000xf32, #tpu.memory_space<vmem>>, vector<512000xf32>
    %add3A_7 = arith.addf %mul3A, %get3A_6 : vector<512000xf32>
    %swap3A = arith.constant 0 : index
    %swap3A_8 = vector.load %arg5[%swap3A] : memref<512000xf32, #tpu.memory_space<vmem>>, vector<512000xf32>
    tpu.vector_store %arg5[%swap3A], %add3A_7 {strides = array<i32>} : memref<512000xf32, #tpu.memory_space<vmem>>, vector<512000xf32>,
    return
  }
  func.func @transform_0(%arg0: i32) -> i32 {
    %c0_i32 = arith.constant 0 : i32
    return %arg0 : i32
  }
  func.func @transform_1(%arg0: i32) -> i32 {
    %c0_i32 = arith.constant 0 : i32
    return %arg0 : i32
  }
  func.func @transform_2(%arg0: i32) -> i32 {
    %c0_i32 = arith.constant 0 : i32
    %c0_i32_0 = arith.constant 0 : i32
    return %c0_i32 : i32
  }
  func.func @transform_3(%arg0: i32) -> i32 {
    %c0_i32 = arith.constant 0 : i32
    %c0_i32_0 = arith.constant 0 : i32
    return %c0_i32 : i32
  }
  func.func @transform_4(%arg0: i32) -> i32 {
    %c0_i32 = arith.constant 0 : i32
    return %arg0 : i32
  }
}

</mosaic_0001>

<sc_bundles>
// kernel: kernel.4.cloned.1.call-start
scs
__scs_entry_jumppad:
0x0: {  	(pc) =	sbr.rel $0x88, $3  }
0x1: {  	(tag) =	ssettag $0x0;
	lr =	simm.s32 $0x1  }
0x2: {  	[smem:$0x3F9D] =	sst lr;
	_ =	strace $0xD0000000  }
0x3: {  	_ = 	snop  }
0x4: {  	_ = 	snop  }
0x5: {  	_ = 	snop  }
0x6: {  	_ = 	snop  }
0x7: {  	_ = 	snop  }
__scs_overlays_trampoline_lowered:
0x8: {  	[smem:$0x3FAC] =	sst s0  }
0x9: {  	[smem:$0x3FAD] =	sst s1  }
0xa: {  	[smem:$0x3FAE] =	sst s2  }
0xb: {  	[smem:$0x3FAF] =	sst s3  }
0xc: {  	[smem:$0x3FB0] =	sst s4  }
0xd: {  	[smem:$0x3FB1] =	sst s5  }
0xe: {  	[smem:$0x3FB2] =	sst s6  }
0xf: {  	[smem:$0x3FB3] =	sst s7  }
0x10: {  	[smem:$0x3FB4] =	sst s8  }
0x11: {  	[smem:$0x3FB5] =	sst s9;
	s0 =	simm.s32 @!p0 $0x0  }
0x12: {  	s1 =	sld [smem:$0x3F9B];
	s0 =	simm.s32 @p0 $0x1  }
0x13: {  	[smem:$0x3FB6] =	sst s0;
	s0 =	simm.s32 @!p1 $0x0  }
0x14: {  	s2 =	sld [smem:$0x3F9A];
	s0 =	simm.s32 @p1 $0x1  }
0x15: {  	[smem:$0x3FB7] =	sst s0;
	s0 =	simm.s32 @!p2 $0x0  }
0x16: {  	s3 =	sld [smem:$0x3FDB];
	s0 =	simm.s32 @p2 $0x1  }
0x17: {  	s4 =	simm.s32 $0x1BF5;
	[smem:$0x3FB9] =	sst s0  }
0x18: {  	s0 =	sld [smem:$0x3F9C];
	_ =	swait.ge [sflag:s4], $0x0  }
0x19: {  	s7 =	sld [smem:$0x3F9D]  }
0x1a: {  	s8 =	sadd.s32 $0xFFFFE003, lr  }
0x1b: {  	s9 =	sadd.s32 $0xFFFFFEF7, lr;
	s5 =	simm.s32 $0xFFFFFFFF;
	p2 =	slt.u32 s8, $0xFFFFF086  }
0x1c: {  	p1 =	slt.u32 s9, $0xF7A;
	s5 =	simm.s32 @!p2 $0x0  }
0x1d: {  	s5 =	simm.s32 @p1 $0x1;
	p0 =	seq.s32 s7, s2  }
0x1e: {  	s7 =	smul.u32 @!p0 $0xF7A, s2;
	p2 =	seq.s32 @!p0 s5, $0x0  }
0x1f: {  	s9 =	smul.u32 $0xF7A, s1;
	s8 =	simm.s32 @!p0 $0x1BF5;
	p2 =	por !p2, p0  }
0x20: {  	[sflag:s8] =	ssyncset.s32 @!p0 $0xFFFFF086;
	s6 =	sadd.s32 @!p0 s3, s7;
	s7 =	simm.s32 @!p0 $0x108  }
0x21: {  	s3 =	sadd.s32 s3, s9;
	s6 =	sadd.s32 @!p0 $0x88, s6;
	s7 =	simm.s32 @p2 $0x1082  }
0x22: {  	[simem:s7], [sflag:s8] =	dma.local @!p0 [hbm:s6], $0xF7A  }
0x23: {  	s9 =	sor.u32 $0xD0000000, s2;
	s6 =	simm.s32 $0x108;
	_ =	swait.ge @!p0 [sflag:s8], $0x0  }
0x24: {  	s3 =	sadd.s32 $0x88, s3;
	s6 =	simm.s32 @!p1 $0x1082;
	[sflag:s4] =	ssyncset.s32 $0xFFFFF086  }
0x25: {  	[simem:s6], [sflag:s4] =	dma.local [hbm:s3], $0xF7A  }
0x26: {  	[smem:$0x3F9D] =	sst s1;
	(tag) =	ssettag s2;
	_ =	strace s9  }
0x27: {  	s1 =	sld [smem:$0x3FAD]  }
0x28: {  	s2 =	sld [smem:$0x3FAE]  }
0x29: {  	s4 =	sld [smem:$0x3FB0]  }
0x2a: {  	p0 =	seq.s32 s5, $0x0;
	s5 =	sld [smem:$0x3FB1]  }
0x2b: {  	s6 =	sld [smem:$0x3FB2]  }
0x2c: {  	s7 =	sld [smem:$0x3FB3]  }
0x2d: {  	s3 =	simm.s32 $0x108;
	s8 =	sld [smem:$0x3FB4]  }
0x2e: {  	s3 =	simm.s32 @!p0 $0x1082;
	s9 =	sld [smem:$0x3FB5]  }
0x2f: {  	lr =	sadd.s32 s0, s3;
	s0 =	sld [smem:$0x3FAC]  }
0x30: {  	s3 =	sld [smem:$0x3FAF]  }
0x31: {  	[smem:$0x3FB8] =	sst s10  }
0x32: {  	s10 =	sld [smem:$0x3FB6];
	_ =	sdelay $0x3  }
0x33: {  	p0 =	seq.s32 s10, $0x1;
	s10 =	sld [smem:$0x3FB8];
	_ =	sdelay $0x3  }
0x34: {  	[smem:$0x3FB8] =	sst s10  }
0x35: {  	s10 =	sld [smem:$0x3FB7];
	_ =	sdelay $0x3  }
0x36: {  	p1 =	seq.s32 s10, $0x1;
	s10 =	sld [smem:$0x3FB8];
	_ =	sdelay $0x3  }
0x37: {  	[smem:$0x3FB8] =	sst s10  }
0x38: {  	s10 =	sld [smem:$0x3FB9]  }
0x39: {  	_ = 	snop;
	(pc) =	sbr.ind lr, $3  }
0x3a: {  	_ = 	snop  }
0x3b: {  	_ = 	snop  }
0x3c: {  	p2 =	seq.s32 s10, $0x1;
	s10 =	sld [smem:$0x3FB8]  }
0x3d: {  	_ =	shalt  }
0x3e: {  	_ =	shalt  }
0x3f: {  	_ =	shalt  }
0x40: {  	_ =	shalt  }
0x41: {  	_ =	shalt  }
0x42: {  	_ =	shalt  }
0x43: {  	_ =	shalt  }
0x44: {  	_ =	shalt  }
0x45: {  	_ =	shalt  }
0x46: {  	_ =	shalt  }
0x47: {  	_ =	shalt  }
0x48: {  	_ =	shalt  }
0x49: {  	_ =	shalt  }
0x4a: {  	_ =	shalt  }
0x4b: {  	_ =	shalt  }
0x4c: {  	_ =	shalt  }
0x4d: {  	_ =	shalt  }
0x4e: {  	_ =	shalt  }
0x4f: {  	_ =	shalt  }
0x50: {  	_ =	shalt  }
0x51: {  	_ =	shalt  }
0x52: {  	_ =	shalt  }
0x53: {  	_ =	shalt  }
0x54: {  	_ =	shalt  }
0x55: {  	_ =	shalt  }
0x56: {  	_ =	shalt  }
0x57: {  	_ =	shalt  }
0x58: {  	_ =	shalt  }
0x59: {  	_ =	shalt  }
0x5a: {  	_ =	shalt  }
0x5b: {  	_ =	shalt  }
0x5c: {  	_ =	shalt  }
0x5d: {  	_ =	shalt  }
0x5e: {  	_ =	shalt  }
0x5f: {  	_ =	shalt  }
0x60: {  	_ =	shalt  }
0x61: {  	_ =	shalt  }
0x62: {  	_ =	shalt  }
0x63: {  	_ =	shalt  }
0x64: {  	_ =	shalt  }
0x65: {  	_ =	shalt  }
0x66: {  	_ =	shalt  }
0x67: {  	_ =	shalt  }
0x68: {  	_ =	shalt  }
0x69: {  	_ =	shalt  }
0x6a: {  	_ =	shalt  }
0x6b: {  	_ =	shalt  }
0x6c: {  	_ =	shalt  }
0x6d: {  	_ =	shalt  }
0x6e: {  	_ =	shalt  }
0x6f: {  	_ =	shalt  }
0x70: {  	_ =	shalt  }
0x71: {  	_ =	shalt  }
0x72: {  	_ =	shalt  }
0x73: {  	_ =	shalt  }
0x74: {  	_ =	shalt  }
0x75: {  	_ =	shalt  }
0x76: {  	_ =	shalt  }
0x77: {  	_ =	shalt  }
0x78: {  	_ =	shalt  }
0x79: {  	_ =	shalt  }
0x7a: {  	_ =	shalt  }
0x7b: {  	_ =	shalt  }
0x7c: {  	_ =	shalt  }
0x7d: {  	_ =	shalt  }
0x7e: {  	_ =	shalt  }
0x7f: {  	_ =	shalt  }
0x80: {  	_ =	shalt  }
0x81: {  	_ =	shalt  }
0x82: {  	_ =	shalt  }
0x83: {  	_ =	shalt  }
0x84: {  	_ =	shalt  }
0x85: {  	_ =	shalt  }
0x86: {  	_ =	shalt  }
0x87: {  	_ =	shalt  }
.Lfunc_end0:
.L_simem_size_0:
called_computation_lowered:
.L_overlay_start_0:
0x88: {  	s2 =	sld [smem:$0x3FD9]  }
0x89: {  	s3 =	sld [smem:$0x3FFE];
	_ =	sdelay $0x1  }
0x8a: {  	s1 =	srdreg.scid  }
0x8b: {  	s0 =	sand.u32 $0x1, s1  }
0x8c: {  	s17 =	sshll.u32 s0, $0xA;
	s2 =	sadd.s32 s3, s2  }
0x8d: {  	s2 =	sadd.s32 s2, s17  }
0x8e: {  	[smem:$0x3FC4] =	sst s2  }
0x8f: {  	_ = 	snop  }
0x90: {  	s2 =	sld [smem:$0x3FC9]  }
0x91: {  	s18 =	sld [smem:$0x3FD0];
	(tm) =	ssettm $0x1  }
0x92: {  	s4 =	sld [smem:$0x3FFB];
	_ =	sdelay $0x3  }
0x93: {  	_ =	strace s4  }
0x94: {  	s4 =	sld [smem:$0x3FFC];
	_ =	sdelay $0x3  }
0x95: {  	_ =	strace s4  }
0x96: {  	s4 =	sld [smem:$0x3FFD];
	_ =	sdelay $0x3  }
0x97: {  	_ =	strace s4  }
0x98: {  	_ =	strace $0x8FFFFFFF  }
0x99: {  	s19 =	sld [smem:$0x3FDB];
	_ =	sdelay $0x1  }
0x9a: {  	s5 =	simm.s32 $_scs_section_size  }
0x9b: {  	s6 =	simm.s32 $_size__tile_overlayer_lowered;
	s7 =	simm.s32 $_tile_overlayer_lowered  }
0x9c: {  	s22 =	simm.s32 $0x1BFF;
	s21 =	sshll.u32 s7, $0x1;
	s4 =	sadd.s32 s5, s19  }
0x9d: {  	s8 =	simm.s32 $0x0;
	s20 =	sshll.u32 s6, $0x1;
	s6 =	sadd.s32 s21, s4  }
0x9e: {  	[timem:s8], [sflag:s22] =	dma.local [hbm:s6], s20  }
0x9f: {  	_ =	swait.ge [sflag:s22], s20  }
0xa0: {  	s5 =	ssub.s32 $0x0, s20;
	[sflag:s22] =	ssyncset.done $0x0  }
0xa1: {  	[sflag:s22] =	ssyncadd.s32 s5;
	_ =	sdelay $0x1  }
0xa2: {  	s23 =	simm.s32 $0x1B8B  }
0xa3: {  	_ =	swait.ge [sflag:s23], $0x1  }
0xa4: {  	[sflag:s23] =	ssyncset.done $0x0  }
0xa5: {  	s25 =	simm.s32 $0x1B8E;
	s24 =	sld [smem:$0x3FFE];
	[sflag:s23] =	ssyncadd.s32 $0xFFFFFFFF  }
0xa6: {  	s26 =	simm.s32 $execute0_lowered;
	[smem:$0x3FD2] =	sst s25  }
0xa7: {  	s6 =	sshll.u32 s26, $0x1;
	_ =	strace $0x80000046;
	[dreg:$0x1] =	wrdreg $0xFFFFFFFF  }
0xa8: {  	s28 =	simm.s32 $_size_execute0_lowered;
	s4 =	sadd.s32 s4, s6;
	[dreg:$0x0] =	wrdreg $0x0  }
0xa9: {  	s6 =	sshll.u32 s28, $0x1;
	[dreg:$0x2] =	wrdreg s4  }
0xaa: {  	[dreg:$0x3] =	wrdreg s6  }
0xab: {  	[dreg:$0x4] =	wrdreg $0xC0  }
0xac: {  	_ =	task [dreg:s8], $0x5FFFF  }
0xad: {  	[dreg:$0x1] =	wrdreg $0xFFFFFFFF  }
0xae: {  	[dreg:$0x0] =	wrdreg $0x60  }
0xaf: {  	[dreg:$0x2] =	wrdreg s2  }
0xb0: {  	[dreg:$0x3] =	wrdreg s18  }
0xb1: {  	[dreg:$0x4] =	wrdreg s24  }
0xb2: {  	[dreg:$0x5] =	wrdreg $0x103000  }
0xb3: {  	[dreg:$0x6] =	wrdreg $0x9  }
0xb4: {  	_ =	task.clear_ibuf [dreg:s8], $0x7FFFF;
	_ =	strace $0x90000046  }
0xb5: {  	s29 =	simm.s32 $0x9;
	_ =	strace $0x80000048  }
0xb6: {  	_ =	swait.ge [sflag:s29], $0x1  }
0xb7: {  	[sflag:s29] =	ssyncadd.s32 $0xFFFFFFFF  }
0xb8: {  	_ =	strace $0x90000048  }
0xb9: {  	_ =	sfence  }
0xba: {  	s30 =	sld [smem:$0x0];
	_ =	sdelay $0x2  }
0xbb: {  	s31 =	sshll.u32 s1, $0xD;
	s1 =	sshrl.u32 s1, $0x2  }
0xbc: {  	s3 =	sand.u32 $0x4000, s31;
	s1 =	sadd.s32 s1, s30  }
0xbd: {  	s0 =	sor.u32 s3, s0;
	s1 =	sshll.u32 s1, $0x11  }
0xbe: {  	s0 =	sor.u32 s1, s0  }
0xbf: {  	s0 =	sadd.s32 $0x8F2B, s0  }
0xc0: {  	[sflag:s0] =	ssyncadd.remote.s32 $0x1  }
0xc1: {  	_ =	sfence.sel $0xFFFF  }
0xc2: {  	[dreg:$0x0] =	wrdreg $0xFFFFFFFF;
	(pc) =	sbr.abs _section_cstart, $3  }
0xc3: {  	[dreg:$0x1] =	wrdreg $0xFFFFFFFF  }
0xc4: {  	_ =	task.clear_ibuf [dreg:s8], $0x2FFFF;
	_ =	strace $0x9FFFFFFF  }
0xc5: {  	(tm) =	ssettm $0x7FFFFFFF  }
tec
execute0_lowered:
.L_overlay_start_1:
0x0: {  	(tag) =	ssettag $0x1  }
0x1: {  	s4 =	rddreg [dreg:$0x0]  }
0x2: {  	s17 =	rddreg [dreg:$0x1]  }
0x3: {  	s5 =	rddreg [dreg:$0x2]  }
0x4: {  	s1 =	rddreg [dreg:$0x3];
	s2 =	srdreg.scid  }
0x5: {  	s0 =	rddreg [dreg:$0x4];
	s3 =	simm.s32 $0x0;
	s19 =	simm.s32 $0x3  }
0x6: {  	s20 =	simm.s32 $0x1;
	s21 =	simm.s32 $0x100;
	s22 =	simm.s32 $0x10200  }
0x7: {  	s23 =	simm.s32 $0x50;
	s24 =	simm.s32 $0xC300;
	s25 =	simm.s32 $0x2  }
0x8: {  	s26 =	simm.s32 $0x0;
	s6 =	sand.u32 $0x1, s2;
	[smem:$0x7FF] =	sst s3  }
0x9: {  	s2 =	stileid.u32;
	s12 =	sadd.s32 $0x1400, s5;
	s7 =	sshll.u32 s6, $0x4  }
0xa: {  	_ =	strace $0x80000047;
	s8 =	smul.u32 $0x3E800, s2;
	s29 =	ssub.s32 $0x2, s6  }
0xb: {  	s10 =	smul.u32 $0xFA00, s2;
	p0 =	seq.s32 s6, $0x1;
	s7 =	sor.u32 s2, s7  }
0xc: {  	s9 =	sshrl.u32 s29, $0x1;
	s17 =	smov.u32 @p0 s12;
	s7 =	smul.u32 $0x186A, s7  }
0xd: {  	s8 =	sshrl.u32 s8, $0x2;
	s11 =	ssub.s32 s29, s9;
	s6 =	sadd.s32 s10, s1  }
0xe: {  	s30 =	sadd.s32 $0x3E80, s10;
	s14 =	sshrl.u32 s10, $0x3;
	s31 =	sadd.s32 $0x7D00, s10  }
0xf: {  	s10 =	sadd.s32 $0xBB80, s10;
	s5 =	sadd.s32 s8, s1;
	s15 =	sshrl.u32 s30, $0x3  }
0x10: {  	s8 =	sadd.s32 s31, s1;
	s16 =	sshrl.u32 s31, $0x3;
	s9 =	sadd.s32 s10, s1  }
0x11: {  	s18 =	sshrl.u32 s10, $0x3;
	s10 =	smax.u32 s11, $0x1;
	s14 =	sadd.s32 s17, s14  }
0x12: {  	s4 =	sadd.s32 s4, s7;
	s7 =	sadd.s32 s30, s1;
	s11 =	sadd.s32 $0x3E80, s5  }
0x13: {  	s12 =	sadd.s32 $0x7D00, s5;
	s13 =	sadd.s32 $0xBB80, s5;
	s15 =	sadd.s32 s17, s15  }
0x14: {  	v0 =	vimm.f32 $1.000000000e+00;
	v1 =	vimm.f32 $0.0e+00;
	s16 =	sadd.s32 s17, s16;
	s17 =	sadd.s32 s17, s18;
	s18 =	simm.s32 $0xC380  }
.LBB2_1:
0x15: {  	[tilespmem:s3], [sflag:$0x1] =	stream.linear.gather [hbm4b:s4+s3], $0xC350, $0x38;
	[tilespmem:$0x1FD00] =	vst v63  }
0x16: {  	[tilespmem:$0x10200] =	vst v0  }
0x17: {  	[tilespmem:$0x10210] =	vst v0  }
0x18: {  	[tilespmem:$0x10220] =	vst v0  }
0x19: {  	[tilespmem:$0x10230] =	vst v0  }
0x1a: {  	[tilespmem:$0x10240] =	vst v0  }
0x1b: {  	[tilespmem:$0x10250] =	vst v0  }
0x1c: {  	[tilespmem:$0x10260] =	vst v0  }
0x1d: {  	[tilespmem:$0x10270] =	vst v0  }
0x1e: {  	[tilespmem:$0x10280] =	vst v0  }
0x1f: {  	[tilespmem:$0x10290] =	vst v0  }
0x20: {  	[tilespmem:$0x102A0] =	vst v0  }
0x21: {  	[tilespmem:$0x102B0] =	vst v0  }
0x22: {  	[tilespmem:$0x102C0] =	vst v0  }
0x23: {  	[tilespmem:$0x102D0] =	vst v0  }
0x24: {  	[tilespmem:$0x102E0] =	vst v0  }
0x25: {  	s28 =	simm.s32 $0x40;
	s29 =	simm.s32 $0x0;
	[tilespmem:$0x102F0] =	vst v0  }
.LBB2_2:
0x26: {  	p0 =	sne.s32 s28, $0xF9C0;
	[tilespmem:s29+$0xC380] =	vst v1;
	s29 =	smov.u32 s28;
	s28 =	sadd.s32 $0x40, s28  }
.Ltmp0:
0x27: {  	(pc) =	sbr.rel @p0 .LBB2_2-.Ltmp0, $2  }
0x28: {  	_ =	sdelay $0x2  }
0x29: {  	s29 =	sshra.s32 s29, $0x2  }
0x2a: {  	[tilespmem:s29+$0xC380] =	vst v1  }
0x2b: {  	[spmem:s5] =	stream.linear.scatter [tilespmem:s18], [sflag:$0x3], $0x3E80, $0x38;
	[tilespmem:$0x1FD00] =	vst v63  }
0x2c: {  	_ = 	snop  }
0x2d: {  	[spmem:s11] =	stream.linear.scatter [tilespmem:s18], [sflag:$0x3], $0x3E80, $0x38;
	[tilespmem:$0x1FD00] =	vst v63  }
0x2e: {  	_ = 	snop  }
0x2f: {  	[spmem:s12] =	stream.linear.scatter [tilespmem:s18], [sflag:$0x3], $0x3E80, $0x38;
	[tilespmem:$0x1FD00] =	vst v63  }
0x30: {  	_ = 	snop  }
0x31: {  	[spmem:s13] =	stream.linear.scatter [tilespmem:s18], [sflag:$0x3], $0x3E80, $0x38;
	[tilespmem:$0x1FD00] =	vst v63  }
0x32: {  	_ =	swait.ge [sflag:s19], $0x3E80  }
0x33: {  	[sflag:s19] =	ssyncset.done $0x0  }
0x34: {  	[sflag:s19] =	ssyncadd.s32 $0xFFFFC180  }
0x35: {  	_ =	swait.ge [sflag:s19], $0x3E80  }
0x36: {  	[sflag:s19] =	ssyncset.done $0x0  }
0x37: {  	[sflag:s19] =	ssyncadd.s32 $0xFFFFC180  }
0x38: {  	_ =	swait.ge [sflag:s19], $0x3E80  }
0x39: {  	[sflag:s19] =	ssyncset.done $0x0  }
0x3a: {  	[sflag:s19] =	ssyncadd.s32 $0xFFFFC180  }
0x3b: {  	_ =	swait.ge [sflag:s19], $0x3E80  }
0x3c: {  	[sflag:s19] =	ssyncset.done $0x0  }
0x3d: {  	[sflag:s19] =	ssyncadd.s32 $0xFFFFC180  }
0x3e: {  	_ =	swait.ge [sflag:s20], $0xC350  }
0x3f: {  	[sflag:s20] =	ssyncset.done $0x0  }
0x40: {  	[sflag:s20] =	ssyncadd.s32 $0xFFFF3CB0  }
0x41: {  	s28 =	simm.s32 $0x400;
	s29 =	simm.s32 $0x0;
	[bflag:$0x0] =	sbarrier.arrive $0xFFFF  }
.LBB2_4:
0x42: {  	[spmem:s1] =	stream.indirect.scatter.add.f32 [tilespmem:s22], [sflag:$0x2], $0x1, s29, s21, $0xb8;
	[tilespmem:$0x1FD00] =	vst v63  }
0x43: {  	s29 =	smov.u32 s28;
	p0 =	sne.s32 s28, $0x30800  }
.Ltmp1:
0x44: {  	s28 =	sadd.s32 $0x400, s28;
	(pc) =	sbr.rel @p0 .LBB2_4-.Ltmp1, $2  }
0x45: {  	_ =	sdelay $0x2  }
0x46: {  	s29 =	sshra.s32 s29, $0x2  }
0x47: {  	[spmem:s1] =	stream.indirect.scatter.add.f32 [tilespmem:s22], [sflag:$0x2], $0x1, s29, s21, $0xb8;
	[tilespmem:$0x1FD00] =	vst v63  }
0x48: {  	_ = 	snop  }
0x49: {  	[spmem:s1] =	stream.indirect.scatter.add.f32 [tilespmem:s22], [sflag:$0x2], $0x1, s24, s23, $0xb8;
	[tilespmem:$0x1FD00] =	vst v63  }
0x4a: {  	_ =	swait.ge [sflag:s25], $0x100  }
0x4b: {  	s28 =	simm.s32 $0xC2;
	[sflag:s25] =	ssyncset.done $0x0  }
.LBB2_6:
0x4c: {  	p0 =	sne.s32 s28, $0x1;
	s28 =	sadd.s32 $0xFFFFFFFF, s28;
	[sflag:s25] =	ssyncadd.s32 $0xFFFFFF00  }
.Ltmp2:
0x4d: {  	(pc) =	sbr.rel @p0 .LBB2_6-.Ltmp2, $3  }
0x4e: {  	_ =	sdelay $0x1  }
0x4f: {  	_ =	swait.ge [sflag:s25], $0x100  }
0x50: {  	[sflag:s25] =	ssyncset.done $0x0  }
0x51: {  	[sflag:s25] =	ssyncadd.s32 $0xFFFFFF00  }
0x52: {  	_ =	swait.ge [sflag:s25], $0x50  }
0x53: {  	[sflag:s25] =	ssyncset.done $0x0  }
0x54: {  	[sflag:s25] =	ssyncadd.s32 $0xFFFFFFB0  }
0x55: {  	[bflag:$0x0] =	sbarrier.arrive $0xFFFF  }
0x56: {  	[tilespmem:s18], [sflag:$0x1] =	stream.linear.gather [spmem:s6], $0x3E80, $0x38;
	[tilespmem:$0x1FD00] =	vst v63  }
0x57: {  	_ =	swait.ge [sflag:s20], $0x3E80  }
0x58: {  	[sflag:s20] =	ssyncset.done $0x0  }
0x59: {  	[sflag:s20] =	ssyncadd.s32 $0xFFFFC180  }
0x5a: {  	[hbm4b:s14+s3] =	stream.linear.scatter [tilespmem:s18], [sflag:$0x2], $0x3E80, $0x38;
	[tilespmem:$0x1FD00] =	vst v63  }
0x5b: {  	_ = 	snop  }
0x5c: {  	[tilespmem:s3], [sflag:$0x1] =	stream.linear.gather [spmem:s7], $0x3E80, $0x38;
	[tilespmem:$0x1FD00] =	vst v63  }
0x5d: {  	_ =	swait.ge [sflag:s20], $0x3E80  }
0x5e: {  	[sflag:s20] =	ssyncset.done $0x0  }
0x5f: {  	[sflag:s20] =	ssyncadd.s32 $0xFFFFC180  }
0x60: {  	_ =	swait.ge [sflag:s25], $0x3E80  }
0x61: {  	[sflag:s25] =	ssyncset.done $0x0  }
0x62: {  	[sflag:s25] =	ssyncadd.s32 $0xFFFFC180  }
0x63: {  	[hbm4b:s15+s3] =	stream.linear.scatter [tilespmem:s3], [sflag:$0x2], $0x3E80, $0x38;
	[tilespmem:$0x1FD00] =	vst v63  }
0x64: {  	_ = 	snop  }
0x65: {  	[tilespmem:s18], [sflag:$0x1] =	stream.linear.gather [spmem:s8], $0x3E80, $0x38;
	[tilespmem:$0x1FD00] =	vst v63  }
0x66: {  	_ =	swait.ge [sflag:s20], $0x3E80  }
0x67: {  	[sflag:s20] =	ssyncset.done $0x0  }
0x68: {  	[sflag:s20] =	ssyncadd.s32 $0xFFFFC180  }
0x69: {  	_ =	swait.ge [sflag:s25], $0x3E80  }
0x6a: {  	[sflag:s25] =	ssyncset.done $0x0  }
0x6b: {  	[sflag:s25] =	ssyncadd.s32 $0xFFFFC180  }
0x6c: {  	[hbm4b:s16+s3] =	stream.linear.scatter [tilespmem:s18], [sflag:$0x2], $0x3E80, $0x38;
	[tilespmem:$0x1FD00] =	vst v63  }
0x6d: {  	_ = 	snop  }
0x6e: {  	[tilespmem:s3], [sflag:$0x1] =	stream.linear.gather [spmem:s9], $0x3E80, $0x38;
	[tilespmem:$0x1FD00] =	vst v63  }
0x6f: {  	_ =	swait.ge [sflag:s20], $0x3E80  }
0x70: {  	[sflag:s20] =	ssyncset.done $0x0  }
0x71: {  	[sflag:s20] =	ssyncadd.s32 $0xFFFFC180  }
0x72: {  	s26 =	sadd.s32 $0x1, s26;
	_ =	swait.ge [sflag:s25], $0x3E80  }
0x73: {  	p0 =	sne.s32 s26, s10;
	[sflag:s25] =	ssyncset.done $0x0  }
.Ltmp3:
0x74: {  	[sflag:s25] =	ssyncadd.s32 $0xFFFFC180;
	(pc) =	sbr.rel @p0 .LBB2_1-.Ltmp3, $4  }
0x75: {  	[hbm4b:s17+s3] =	stream.linear.scatter [tilespmem:s3], [sflag:$0x2], $0x3E80, $0x38;
	[tilespmem:$0x1FD00] =	vst v63  }
0x76: {  	_ =	swait.ge [sflag:s25], $0x3E80  }
0x77: {  	[sflag:s25] =	ssyncset.done $0x0  }
0x78: {  	[sflag:s25] =	ssyncadd.s32 $0xFFFFC180  }
0x79: {  	_ =	sfence.sel $0x180000  }
0x7a: {  	[bflag:$0x0] =	sbarrier.arrive $0xFFFF  }
0x7b: {  	p0 =	sne.s32 s2, $0x0;
	_ =	strace $0x90000047  }
0x7c: {  	s0 =	sadd.s32 @!p0 $0x100000, s0;
	[bflag:$0x2] =	sbarrier.arrive $0xFFFF  }
0x7d: {  	[sflag:s0] =	ssyncadd.tile.s32 @!p0 $0x1;
	_ =	shalt  }
.Lfunc_end2:
_tile_overlayer_lowered:
.L_overlay_start_2:
0x7e: {  	(tag) =	ssettag $0x2  }
0x7f: {  	s0 =	rddreg [dreg:$0x0];
	s2 =	stileid.u32  }
0x80: {  	s1 =	rddreg [dreg:$0x1];
	p0 =	sne.s32 s2, $0x0  }
0x81: {  	s3 =	rddreg [dreg:$0x2];
	[bflag:$0x3] =	sbarrier.arrive $0xFFFF;
	s2 =	simm.s32 @!p0 $0x1C04  }
0x82: {  	[timem:s3], [sflag:s2] =	dma.local @!p0 [hbm:s0], s1  }
0x83: {  	s0 =	simm.s32 @!p0 $0x4  }
0x84: {  	_ =	swait.ge @!p0 [sflag:s0], s1  }
0x85: {  	s1 =	ssub.s32 @!p0 $0x0, s1;
	[sflag:s0] =	ssyncset.done @!p0 $0x0  }
0x86: {  	[sflag:s0] =	ssyncadd.s32 @!p0 s1  }
0x87: {  	[bflag:$0x3] =	sbarrier.arrive $0xFFFF  }
0x88: {  	_ =	shalt  }

</sc_bundles>
